<compile_context>
chip_gen: v7x
topology: tpu7x:2x2x1
jax: 0.10.2.dev20260603
libtpu: 0.0.44.dev20260713+nightly
codegen_flags: <defaults>
</compile_context>

<pallas_src>
import functools

import jax
import jax.numpy as jnp
import numpy as np
from jax import lax
from jax.experimental import pallas as pl
from jax.experimental.pallas import tpu as pltpu
from jax.experimental.pallas import tpu_sc as plsc

_LEVELS = 5
_D = 8
_NBINS = _LEVELS ** _D
_HPAD = 390656

_B = 256
_S = 1024
_BB = 128
_BB1 = 128

_N_IDX = _B * _S
_IDX_COLS = 128
_IDX_ROWS = _N_IDX // _IDX_COLS

_NUM_TILES = 16
_TILE_BINS = _HPAD // _NUM_TILES
_TILE_IDX_ROWS = _IDX_ROWS // _NUM_TILES
_ZCHUNK = 2048
_RING = 16


def _idx_body(x_ref, idx_ref):
    acc = None
    for d in range(_D):
        xd = x_ref[:, d, :]
        zp2 = jnp.round(jnp.tanh(xd) * 2.0) + 2.0
        t = zp2 * (5.0 ** d) if d else zp2
        acc = t if acc is None else acc + t
    idx_ref[...] = acc.astype(jnp.int32).reshape(_BB1 * _D, _IDX_COLS)


def _idx_tc(x3d):
    return pl.pallas_call(
        _idx_body,
        grid=(_B // _BB1,),
        in_specs=[pl.BlockSpec((_BB1, _D, _S), lambda i: (i, 0, 0))],
        out_specs=pl.BlockSpec((_BB1 * _D, _IDX_COLS), lambda i: (i, 0)),
        out_shape=jax.ShapeDtypeStruct((_IDX_ROWS, _IDX_COLS), jnp.int32),
    )(x3d)


def _quant_body(x_ref, q_ref, zhat_ref):
    x = x_ref[...]
    zhat = jnp.round(jnp.tanh(x) * 2.0)
    q_ref[...] = zhat * 0.5
    zhat_ref[...] = zhat


def _quantize_tc(x3d):
    return pl.pallas_call(
        _quant_body,
        grid=(_B // _BB,),
        in_specs=[pl.BlockSpec((_BB, _D, _S), lambda i: (i, 0, 0))],
        out_specs=[
            pl.BlockSpec((_BB, _D, _S), lambda i: (i, 0, 0)),
            pl.BlockSpec((_BB, _D, _S), lambda i: (i, 0, 0)),
        ],
        out_shape=[
            jax.ShapeDtypeStruct((_B, _D, _S), jnp.float32),
            jax.ShapeDtypeStruct((_B, _D, _S), jnp.float32),
        ],
    )(x3d)


def _hist_body(idx_hbm, out_hbm, idx_v, ones_v, fill_v, hist_sh, sem, isem):
    core = lax.axis_index("c")
    sid = lax.axis_index("s")

    @pl.when(core == 0)
    def _():
        base = sid * _TILE_BINS

        idx_cp = pltpu.async_copy(
            idx_hbm.at[pl.ds(sid * _TILE_IDX_ROWS, _TILE_IDX_ROWS)], idx_v,
            isem)

        @pl.loop(0, _ZCHUNK, step=16)
        def _(i):
            fill_v[pl.ds(i, 16)] = jnp.zeros((16,), jnp.int32)

        zcps = [
            pltpu.async_copy(
                fill_v.at[pl.ds(0, min(_ZCHUNK, _TILE_BINS - k * _ZCHUNK))],
                hist_sh.at[pl.ds(base + k * _ZCHUNK,
                                 min(_ZCHUNK, _TILE_BINS - k * _ZCHUNK))],
                sem)
            for k in range((_TILE_BINS + _ZCHUNK - 1) // _ZCHUNK)
        ]

        @pl.loop(0, _IDX_COLS, step=16)
        def _(i):
            ones_v[pl.ds(i, 16)] = jnp.ones((16,), jnp.int32)

        for cp in zcps:
            cp.wait()
        idx_cp.wait()
        plsc.subcore_barrier()

        for t in range(_RING):
            pltpu.async_copy(ones_v, hist_sh.at[idx_v.at[t]], sem, add=True)

        @pl.loop(_RING, _TILE_IDX_ROWS)
        def _(j):
            pltpu.make_async_copy(idx_hbm.at[0], ones_v, sem).wait()
            pltpu.async_copy(ones_v, hist_sh.at[idx_v.at[j]], sem, add=True)

        for t in range(_RING):
            pltpu.make_async_copy(idx_hbm.at[0], ones_v, sem).wait()

        plsc.subcore_barrier()

        nchunk = (_TILE_BINS + _ZCHUNK - 1) // _ZCHUNK
        sizes = [min(_ZCHUNK, _TILE_BINS - k * _ZCHUNK) for k in range(nchunk)]
        offs = [k * _ZCHUNK for k in range(nchunk)]
        pltpu.sync_copy(
            hist_sh.at[pl.ds(base + offs[0], sizes[0])],
            fill_v.at[pl.ds(offs[0], sizes[0])])
        for k in range(nchunk):
            ocp = pltpu.async_copy(
                fill_v.at[pl.ds(offs[k], sizes[k])],
                out_hbm.at[pl.ds(base + offs[k], sizes[k])], sem)
            if k + 1 < nchunk:
                pltpu.sync_copy(
                    hist_sh.at[pl.ds(base + offs[k + 1], sizes[k + 1])],
                    fill_v.at[pl.ds(offs[k + 1], sizes[k + 1])])
            ocp.wait()


def _usage_sc(idx):
    mesh = plsc.VectorSubcoreMesh(
        core_axis_name="c", subcore_axis_name="s", num_cores=1)
    k = pl.kernel(
        _hist_body,
        out_type=jax.ShapeDtypeStruct((_HPAD,), jnp.int32),
        mesh=mesh,
        scratch_types=[
            pltpu.VMEM((_TILE_IDX_ROWS, _IDX_COLS), jnp.int32),
            pltpu.VMEM((_IDX_COLS,), jnp.int32),
            pltpu.VMEM((_TILE_BINS,), jnp.int32),
            pltpu.VMEM_SHARED((_HPAD,), jnp.int32),
            pltpu.SemaphoreType.DMA,
            pltpu.SemaphoreType.DMA,
        ],
    )
    return k(idx)


def kernel(x):
    x3d = jnp.transpose(x, (0, 2, 1))
    idx = _idx_tc(x3d)
    usage = _usage_sc(idx)[:_NBINS]
    q3, zh3 = _quantize_tc(x3d)
    return (
        jnp.transpose(q3, (0, 2, 1)),
        jnp.transpose(zh3, (0, 2, 1)),
        usage,
    )

# --- scband reference (transcript-rebuilt; emitter-appended) ---
"""Pipeline reference for scband-fsquantizer-36807869727046 (READ-ONLY COPY).

The authoritative reference and input builder live on the scoring server;
editing this copy changes nothing except your own understanding.
"""

import jax, jax.numpy as jnp
import numpy as np

FSQ_LEVELS = 5

def setup_inputs(seed: int = 0) -> dict:
    key = jax.random.key(seed)
    x = jax.random.normal(key, (256, 1024, 8), dtype=jnp.float32)
    return {"x": x}

def reference(x):
    fsq_levels = FSQ_LEVELS
    z = jnp.tanh(x)
    z = z * (fsq_levels - 1) / 2
    zhat = jnp.round(z)
    quantized = z + jax.lax.stop_gradient(zhat - z)
    quantized = quantized / (fsq_levels // 2)
    zhat_scaled = zhat + fsq_levels // 2
    basis = jnp.concatenate((jnp.array([1]), jnp.cumprod(jnp.array([fsq_levels] * (x.shape[-1] - 1))))).astype(jnp.uint32)
    idx = (zhat_scaled * basis).sum(axis=-1).astype(jnp.uint32)
    idx_flat = idx.reshape(-1).astype(jnp.int32)
    usage = jnp.bincount(idx_flat, length=fsq_levels ** x.shape[-1])
    return (quantized, zhat, usage)

if __name__ == "__main__":
    import jax
    _d = setup_inputs()
    print(jax.jit(kernel)(*tuple(_d.values())))

</pallas_src>

<mosaic_0001>
#map = affine_map<(d0, d1) -> (0, 0)>
#map1 = affine_map<(d0, d1) -> (0)>
module attributes {stable_mosaic.version = 14 : i64} {
  func.func @_hist_body(%arg0: i32, %arg1: i32, %arg2: memref<2048x128xi32, #tpu.memory_space<hbm>>, %arg3: memref<390656xi32, #tpu.memory_space<hbm>>, %arg4: memref<128x128xi32, #tpu.memory_space<vmem>>, %arg5: memref<128xi32, #tpu.memory_space<vmem>>, %arg6: memref<24416xi32, #tpu.memory_space<vmem>>, %arg7: memref<390656xi32, #tpu.memory_space<vmem_shared>>, %arg8: memref<!tpu.dma_semaphore, #tpu.memory_space<semaphore_mem>>, %arg9: memref<!tpu.dma_semaphore, #tpu.memory_space<semaphore_mem>>) attributes {dimension_semantics = [#tpu.dimension_semantics<core_parallel>, #tpu.dimension_semantics<subcore_parallel>], iteration_bounds = array<i64: 1, 16>, scalar_prefetch = 0 : i64, scratch_operands = 6 : i64, tpu.core_type = #tpu.core_type<sc_vector_subcore>, window_params = [{transform_indices = #map}, {transform_indices = #map1}]} {
    %eq3A = arith.constant 0 : i32
    %eq3A_0 = arith.cmpi eq, %arg0, %eq3A : i32
    %convert_element_type3A = arith.extui %eq3A_0 : i1 to i32
    %cond3A = arith.constant 0 : i32
    %cond3A_1 = arith.cmpi ne, %convert_element_type3A, %cond3A : i32
    scf.if %cond3A_1 {
      %mul3A = arith.constant 24416 : i32
      %mul3A_2 = arith.muli %arg1, %mul3A : i32
      %mul3A_3 = arith.constant 128 : i32
      %mul3A_4 = arith.muli %arg1, %mul3A_3 : i32
      %dma_start3A = arith.constant 0 : i32
      %dma_start3A_5 = tpu.memref_slice %arg2[%mul3A_4, %dma_start3A] : memref<2048x128xi32, #tpu.memory_space<hbm>> -> memref<128x128xi32, #tpu.memory_space<hbm>>
      %dma_start3A_6 = arith.constant 0 : i32
      %dma_start3A_7 = tpu.memref_slice %arg2[%mul3A_4, %dma_start3A_6] : memref<2048x128xi32, #tpu.memory_space<hbm>> -> memref<128x128xi32, #tpu.memory_space<hbm>>
      tpu.enqueue_dma source(%dma_start3A_7 : memref<128x128xi32, #tpu.memory_space<hbm>>) target(%arg4 : memref<128x128xi32, #tpu.memory_space<vmem>>) target_semaphore(%arg9 : memref<!tpu.dma_semaphore, #tpu.memory_space<semaphore_mem>>)
      %scan3A = arith.constant 0 : i32
      %scan3A_8 = arith.constant 128 : i32
      %scan3A_9 = arith.addi %scan3A, %scan3A_8 : i32
      %scan3A_10 = arith.constant 1 : i32
      scf.for %scan3A_593 = %scan3A to %scan3A_9 step %scan3A_10  : i32 {
        %mul3A_594 = arith.constant 16 : i32
        %mul3A_595 = arith.muli %scan3A_593, %mul3A_594 : i32
        %add3A_596 = arith.constant 0 : i32
        %add3A_597 = arith.addi %add3A_596, %mul3A_595 : i32
        %broadcast_in_dim3A = arith.constant 0 : i32
        %broadcast_in_dim3A_598 = vector.broadcast %broadcast_in_dim3A : i32 to vector<16xi32>
        %swap3A = arith.index_cast %add3A_597 : i32 to index
        %swap3A_599 = tpu.vector_load %arg6[%swap3A] {strides = array<i32>} : memref<24416xi32, #tpu.memory_space<vmem>>, vector<16xi32>,
        %swap3A_600 = vector.shape_cast %swap3A_599 : vector<16xi32> to vector<16xi32>
        %swap3A_601 = vector.shape_cast %broadcast_in_dim3A_598 : vector<16xi32> to vector<16xi32>
        tpu.vector_store %arg6[%swap3A], %swap3A_601 {strides = array<i32>} : memref<24416xi32, #tpu.memory_space<vmem>>, vector<16xi32>,
      }
      %scan3A_11 = arith.constant 128 : i32
      %add3A = arith.constant 0 : i32
      %add3A_12 = arith.addi %mul3A_2, %add3A : i32
      %dma_start3A_13 = arith.constant 0 : i32
      %dma_start3A_14 = tpu.memref_slice %arg6[%dma_start3A_13] : memref<24416xi32, #tpu.memory_space<vmem>> -> memref<2048xi32, #tpu.memory_space<vmem>>
      %dma_start3A_15 = tpu.memref_slice %arg7[%add3A_12] : memref<390656xi32, #tpu.memory_space<vmem_shared>> -> memref<2048xi32, #tpu.memory_space<vmem_shared>>
      %dma_start3A_16 = tpu.memref_slice %arg7[%add3A_12] : memref<390656xi32, #tpu.memory_space<vmem_shared>> -> memref<2048xi32, #tpu.memory_space<vmem_shared>>
      %dma_start3A_17 = arith.constant 0 : i32
      %dma_start3A_18 = tpu.memref_slice %arg6[%dma_start3A_17] : memref<24416xi32, #tpu.memory_space<vmem>> -> memref<2048xi32, #tpu.memory_space<vmem>>
      tpu.enqueue_dma source(%dma_start3A_18 : memref<2048xi32, #tpu.memory_space<vmem>>) target(%dma_start3A_16 : memref<2048xi32, #tpu.memory_space<vmem_shared>>) target_semaphore(%arg8 : memref<!tpu.dma_semaphore, #tpu.memory_space<semaphore_mem>>)
      %add3A_19 = arith.constant 2048 : i32
      %add3A_20 = arith.addi %mul3A_2, %add3A_19 : i32
      %dma_start3A_21 = arith.constant 0 : i32
      %dma_start3A_22 = tpu.memref_slice %arg6[%dma_start3A_21] : memref<24416xi32, #tpu.memory_space<vmem>> -> memref<2048xi32, #tpu.memory_space<vmem>>
      %dma_start3A_23 = tpu.memref_slice %arg7[%add3A_20] : memref<390656xi32, #tpu.memory_space<vmem_shared>> -> memref<2048xi32, #tpu.memory_space<vmem_shared>>
      %dma_start3A_24 = tpu.memref_slice %arg7[%add3A_20] : memref<390656xi32, #tpu.memory_space<vmem_shared>> -> memref<2048xi32, #tpu.memory_space<vmem_shared>>
      %dma_start3A_25 = arith.constant 0 : i32
      %dma_start3A_26 = tpu.memref_slice %arg6[%dma_start3A_25] : memref<24416xi32, #tpu.memory_space<vmem>> -> memref<2048xi32, #tpu.memory_space<vmem>>
      tpu.enqueue_dma source(%dma_start3A_26 : memref<2048xi32, #tpu.memory_space<vmem>>) target(%dma_start3A_24 : memref<2048xi32, #tpu.memory_space<vmem_shared>>) target_semaphore(%arg8 : memref<!tpu.dma_semaphore, #tpu.memory_space<semaphore_mem>>)
      %add3A_27 = arith.constant 4096 : i32
      %add3A_28 = arith.addi %mul3A_2, %add3A_27 : i32
      %dma_start3A_29 = arith.constant 0 : i32
      %dma_start3A_30 = tpu.memref_slice %arg6[%dma_start3A_29] : memref<24416xi32, #tpu.memory_space<vmem>> -> memref<2048xi32, #tpu.memory_space<vmem>>
      %dma_start3A_31 = tpu.memref_slice %arg7[%add3A_28] : memref<390656xi32, #tpu.memory_space<vmem_shared>> -> memref<2048xi32, #tpu.memory_space<vmem_shared>>
      %dma_start3A_32 = tpu.memref_slice %arg7[%add3A_28] : memref<390656xi32, #tpu.memory_space<vmem_shared>> -> memref<2048xi32, #tpu.memory_space<vmem_shared>>
      %dma_start3A_33 = arith.constant 0 : i32
      %dma_start3A_34 = tpu.memref_slice %arg6[%dma_start3A_33] : memref<24416xi32, #tpu.memory_space<vmem>> -> memref<2048xi32, #tpu.memory_space<vmem>>
      tpu.enqueue_dma source(%dma_start3A_34 : memref<2048xi32, #tpu.memory_space<vmem>>) target(%dma_start3A_32 : memref<2048xi32, #tpu.memory_space<vmem_shared>>) target_semaphore(%arg8 : memref<!tpu.dma_semaphore, #tpu.memory_space<semaphore_mem>>)
      %add3A_35 = arith.constant 6144 : i32
      %add3A_36 = arith.addi %mul3A_2, %add3A_35 : i32
      %dma_start3A_37 = arith.constant 0 : i32
      %dma_start3A_38 = tpu.memref_slice %arg6[%dma_start3A_37] : memref<24416xi32, #tpu.memory_space<vmem>> -> memref<2048xi32, #tpu.memory_space<vmem>>
      %dma_start3A_39 = tpu.memref_slice %arg7[%add3A_36] : memref<390656xi32, #tpu.memory_space<vmem_shared>> -> memref<2048xi32, #tpu.memory_space<vmem_shared>>
      %dma_start3A_40 = tpu.memref_slice %arg7[%add3A_36] : memref<390656xi32, #tpu.memory_space<vmem_shared>> -> memref<2048xi32, #tpu.memory_space<vmem_shared>>
      %dma_start3A_41 = arith.constant 0 : i32
      %dma_start3A_42 = tpu.memref_slice %arg6[%dma_start3A_41] : memref<24416xi32, #tpu.memory_space<vmem>> -> memref<2048xi32, #tpu.memory_space<vmem>>
      tpu.enqueue_dma source(%dma_start3A_42 : memref<2048xi32, #tpu.memory_space<vmem>>) target(%dma_start3A_40 : memref<2048xi32, #tpu.memory_space<vmem_shared>>) target_semaphore(%arg8 : memref<!tpu.dma_semaphore, #tpu.memory_space<semaphore_mem>>)
      %add3A_43 = arith.constant 8192 : i32
      %add3A_44 = arith.addi %mul3A_2, %add3A_43 : i32
      %dma_start3A_45 = arith.constant 0 : i32
      %dma_start3A_46 = tpu.memref_slice %arg6[%dma_start3A_45] : memref<24416xi32, #tpu.memory_space<vmem>> -> memref<2048xi32, #tpu.memory_space<vmem>>
      %dma_start3A_47 = tpu.memref_slice %arg7[%add3A_44] : memref<390656xi32, #tpu.memory_space<vmem_shared>> -> memref<2048xi32, #tpu.memory_space<vmem_shared>>
      %dma_start3A_48 = tpu.memref_slice %arg7[%add3A_44] : memref<390656xi32, #tpu.memory_space<vmem_shared>> -> memref<2048xi32, #tpu.memory_space<vmem_shared>>
      %dma_start3A_49 = arith.constant 0 : i32
      %dma_start3A_50 = tpu.memref_slice %arg6[%dma_start3A_49] : memref<24416xi32, #tpu.memory_space<vmem>> -> memref<2048xi32, #tpu.memory_space<vmem>>
      tpu.enqueue_dma source(%dma_start3A_50 : memref<2048xi32, #tpu.memory_space<vmem>>) target(%dma_start3A_48 : memref<2048xi32, #tpu.memory_space<vmem_shared>>) target_semaphore(%arg8 : memref<!tpu.dma_semaphore, #tpu.memory_space<semaphore_mem>>)
      %add3A_51 = arith.constant 10240 : i32
      %add3A_52 = arith.addi %mul3A_2, %add3A_51 : i32
      %dma_start3A_53 = arith.constant 0 : i32
      %dma_start3A_54 = tpu.memref_slice %arg6[%dma_start3A_53] : memref<24416xi32, #tpu.memory_space<vmem>> -> memref<2048xi32, #tpu.memory_space<vmem>>
      %dma_start3A_55 = tpu.memref_slice %arg7[%add3A_52] : memref<390656xi32, #tpu.memory_space<vmem_shared>> -> memref<2048xi32, #tpu.memory_space<vmem_shared>>
      %dma_start3A_56 = tpu.memref_slice %arg7[%add3A_52] : memref<390656xi32, #tpu.memory_space<vmem_shared>> -> memref<2048xi32, #tpu.memory_space<vmem_shared>>
      %dma_start3A_57 = arith.constant 0 : i32
      %dma_start3A_58 = tpu.memref_slice %arg6[%dma_start3A_57] : memref<24416xi32, #tpu.memory_space<vmem>> -> memref<2048xi32, #tpu.memory_space<vmem>>
      tpu.enqueue_dma source(%dma_start3A_58 : memref<2048xi32, #tpu.memory_space<vmem>>) target(%dma_start3A_56 : memref<2048xi32, #tpu.memory_space<vmem_shared>>) target_semaphore(%arg8 : memref<!tpu.dma_semaphore, #tpu.memory_space<semaphore_mem>>)
      %add3A_59 = arith.constant 12288 : i32
      %add3A_60 = arith.addi %mul3A_2, %add3A_59 : i32
      %dma_start3A_61 = arith.constant 0 : i32
      %dma_start3A_62 = tpu.memref_slice %arg6[%dma_start3A_61] : memref<24416xi32, #tpu.memory_space<vmem>> -> memref<2048xi32, #tpu.memory_space<vmem>>
      %dma_start3A_63 = tpu.memref_slice %arg7[%add3A_60] : memref<390656xi32, #tpu.memory_space<vmem_shared>> -> memref<2048xi32, #tpu.memory_space<vmem_shared>>
      %dma_start3A_64 = tpu.memref_slice %arg7[%add3A_60] : memref<390656xi32, #tpu.memory_space<vmem_shared>> -> memref<2048xi32, #tpu.memory_space<vmem_shared>>
      %dma_start3A_65 = arith.constant 0 : i32
      %dma_start3A_66 = tpu.memref_slice %arg6[%dma_start3A_65] : memref<24416xi32, #tpu.memory_space<vmem>> -> memref<2048xi32, #tpu.memory_space<vmem>>
      tpu.enqueue_dma source(%dma_start3A_66 : memref<2048xi32, #tpu.memory_space<vmem>>) target(%dma_start3A_64 : memref<2048xi32, #tpu.memory_space<vmem_shared>>) target_semaphore(%arg8 : memref<!tpu.dma_semaphore, #tpu.memory_space<semaphore_mem>>)
      %add3A_67 = arith.constant 14336 : i32
      %add3A_68 = arith.addi %mul3A_2, %add3A_67 : i32
      %dma_start3A_69 = arith.constant 0 : i32
      %dma_start3A_70 = tpu.memref_slice %arg6[%dma_start3A_69] : memref<24416xi32, #tpu.memory_space<vmem>> -> memref<2048xi32, #tpu.memory_space<vmem>>
      %dma_start3A_71 = tpu.memref_slice %arg7[%add3A_68] : memref<390656xi32, #tpu.memory_space<vmem_shared>> -> memref<2048xi32, #tpu.memory_space<vmem_shared>>
      %dma_start3A_72 = tpu.memref_slice %arg7[%add3A_68] : memref<390656xi32, #tpu.memory_space<vmem_shared>> -> memref<2048xi32, #tpu.memory_space<vmem_shared>>
      %dma_start3A_73 = arith.constant 0 : i32
      %dma_start3A_74 = tpu.memref_slice %arg6[%dma_start3A_73] : memref<24416xi32, #tpu.memory_space<vmem>> -> memref<2048xi32, #tpu.memory_space<vmem>>
      tpu.enqueue_dma source(%dma_start3A_74 : memref<2048xi32, #tpu.memory_space<vmem>>) target(%dma_start3A_72 : memref<2048xi32, #tpu.memory_space<vmem_shared>>) target_semaphore(%arg8 : memref<!tpu.dma_semaphore, #tpu.memory_space<semaphore_mem>>)
      %add3A_75 = arith.constant 16384 : i32
      %add3A_76 = arith.addi %mul3A_2, %add3A_75 : i32
      %dma_start3A_77 = arith.constant 0 : i32
      %dma_start3A_78 = tpu.memref_slice %arg6[%dma_start3A_77] : memref<24416xi32, #tpu.memory_space<vmem>> -> memref<2048xi32, #tpu.memory_space<vmem>>
      %dma_start3A_79 = tpu.memref_slice %arg7[%add3A_76] : memref<390656xi32, #tpu.memory_space<vmem_shared>> -> memref<2048xi32, #tpu.memory_space<vmem_shared>>
      %dma_start3A_80 = tpu.memref_slice %arg7[%add3A_76] : memref<390656xi32, #tpu.memory_space<vmem_shared>> -> memref<2048xi32, #tpu.memory_space<vmem_shared>>
      %dma_start3A_81 = arith.constant 0 : i32
      %dma_start3A_82 = tpu.memref_slice %arg6[%dma_start3A_81] : memref<24416xi32, #tpu.memory_space<vmem>> -> memref<2048xi32, #tpu.memory_space<vmem>>
      tpu.enqueue_dma source(%dma_start3A_82 : memref<2048xi32, #tpu.memory_space<vmem>>) target(%dma_start3A_80 : memref<2048xi32, #tpu.memory_space<vmem_shared>>) target_semaphore(%arg8 : memref<!tpu.dma_semaphore, #tpu.memory_space<semaphore_mem>>)
      %add3A_83 = arith.constant 18432 : i32
      %add3A_84 = arith.addi %mul3A_2, %add3A_83 : i32
      %dma_start3A_85 = arith.constant 0 : i32
      %dma_start3A_86 = tpu.memref_slice %arg6[%dma_start3A_85] : memref<24416xi32, #tpu.memory_space<vmem>> -> memref<2048xi32, #tpu.memory_space<vmem>>
      %dma_start3A_87 = tpu.memref_slice %arg7[%add3A_84] : memref<390656xi32, #tpu.memory_space<vmem_shared>> -> memref<2048xi32, #tpu.memory_space<vmem_shared>>
      %dma_start3A_88 = tpu.memref_slice %arg7[%add3A_84] : memref<390656xi32, #tpu.memory_space<vmem_shared>> -> memref<2048xi32, #tpu.memory_space<vmem_shared>>
      %dma_start3A_89 = arith.constant 0 : i32
      %dma_start3A_90 = tpu.memref_slice %arg6[%dma_start3A_89] : memref<24416xi32, #tpu.memory_space<vmem>> -> memref<2048xi32, #tpu.memory_space<vmem>>
      tpu.enqueue_dma source(%dma_start3A_90 : memref<2048xi32, #tpu.memory_space<vmem>>) target(%dma_start3A_88 : memref<2048xi32, #tpu.memory_space<vmem_shared>>) target_semaphore(%arg8 : memref<!tpu.dma_semaphore, #tpu.memory_space<semaphore_mem>>)
      %add3A_91 = arith.constant 20480 : i32
      %add3A_92 = arith.addi %mul3A_2, %add3A_91 : i32
      %dma_start3A_93 = arith.constant 0 : i32
      %dma_start3A_94 = tpu.memref_slice %arg6[%dma_start3A_93] : memref<24416xi32, #tpu.memory_space<vmem>> -> memref<2048xi32, #tpu.memory_space<vmem>>
      %dma_start3A_95 = tpu.memref_slice %arg7[%add3A_92] : memref<390656xi32, #tpu.memory_space<vmem_shared>> -> memref<2048xi32, #tpu.memory_space<vmem_shared>>
      %dma_start3A_96 = tpu.memref_slice %arg7[%add3A_92] : memref<390656xi32, #tpu.memory_space<vmem_shared>> -> memref<2048xi32, #tpu.memory_space<vmem_shared>>
      %dma_start3A_97 = arith.constant 0 : i32
      %dma_start3A_98 = tpu.memref_slice %arg6[%dma_start3A_97] : memref<24416xi32, #tpu.memory_space<vmem>> -> memref<2048xi32, #tpu.memory_space<vmem>>
      tpu.enqueue_dma source(%dma_start3A_98 : memref<2048xi32, #tpu.memory_space<vmem>>) target(%dma_start3A_96 : memref<2048xi32, #tpu.memory_space<vmem_shared>>) target_semaphore(%arg8 : memref<!tpu.dma_semaphore, #tpu.memory_space<semaphore_mem>>)
      %add3A_99 = arith.constant 22528 : i32
      %add3A_100 = arith.addi %mul3A_2, %add3A_99 : i32
      %dma_start3A_101 = arith.constant 0 : i32
      %dma_start3A_102 = tpu.memref_slice %arg6[%dma_start3A_101] : memref<24416xi32, #tpu.memory_space<vmem>> -> memref<1888xi32, #tpu.memory_space<vmem>>
      %dma_start3A_103 = tpu.memref_slice %arg7[%add3A_100] : memref<390656xi32, #tpu.memory_space<vmem_shared>> -> memref<1888xi32, #tpu.memory_space<vmem_shared>>
      %dma_start3A_104 = tpu.memref_slice %arg7[%add3A_100] : memref<390656xi32, #tpu.memory_space<vmem_shared>> -> memref<1888xi32, #tpu.memory_space<vmem_shared>>
      %dma_start3A_105 = arith.constant 0 : i32
      %dma_start3A_106 = tpu.memref_slice %arg6[%dma_start3A_105] : memref<24416xi32, #tpu.memory_space<vmem>> -> memref<1888xi32, #tpu.memory_space<vmem>>
      tpu.enqueue_dma source(%dma_start3A_106 : memref<1888xi32, #tpu.memory_space<vmem>>) target(%dma_start3A_104 : memref<1888xi32, #tpu.memory_space<vmem_shared>>) target_semaphore(%arg8 : memref<!tpu.dma_semaphore, #tpu.memory_space<semaphore_mem>>)
      %scan3A_107 = arith.constant 0 : i32
      %scan3A_108 = arith.constant 8 : i32
      %scan3A_109 = arith.addi %scan3A_107, %scan3A_108 : i32
      %scan3A_110 = arith.constant 1 : i32
      scf.for %scan3A_593 = %scan3A_107 to %scan3A_109 step %scan3A_110  : i32 {
        %mul3A_594 = arith.constant 16 : i32
        %mul3A_595 = arith.muli %scan3A_593, %mul3A_594 : i32
        %add3A_596 = arith.constant 0 : i32
        %add3A_597 = arith.addi %add3A_596, %mul3A_595 : i32
        %broadcast_in_dim3A = arith.constant 1 : i32
        %broadcast_in_dim3A_598 = vector.broadcast %broadcast_in_dim3A : i32 to vector<16xi32>
        %swap3A = arith.index_cast %add3A_597 : i32 to index
        %swap3A_599 = tpu.vector_load %arg5[%swap3A] {strides = array<i32>} : memref<128xi32, #tpu.memory_space<vmem>>, vector<16xi32>,
        %swap3A_600 = vector.shape_cast %swap3A_599 : vector<16xi32> to vector<16xi32>
        %swap3A_601 = vector.shape_cast %broadcast_in_dim3A_598 : vector<16xi32> to vector<16xi32>
        tpu.vector_store %arg5[%swap3A], %swap3A_601 {strides = array<i32>} : memref<128xi32, #tpu.memory_space<vmem>>, vector<16xi32>,
      }
      %scan3A_111 = arith.constant 8 : i32
      %dma_wait3A = arith.constant 0 : i32
      %dma_wait3A_112 = tpu.memref_slice %arg6[%dma_wait3A] : memref<24416xi32, #tpu.memory_space<vmem>> -> memref<2048xi32, #tpu.memory_space<vmem>>
      %dma_wait3A_113 = tpu.memref_slice %arg7[%add3A_12] : memref<390656xi32, #tpu.memory_space<vmem_shared>> -> memref<2048xi32, #tpu.memory_space<vmem_shared>>
      %dma_wait3A_114 = tpu.memref_slice %arg7[%add3A_12] : memref<390656xi32, #tpu.memory_space<vmem_shared>> -> memref<2048xi32, #tpu.memory_space<vmem_shared>>
      %dma_wait3A_115 = arith.constant 0 : i32
      %dma_wait3A_116 = tpu.memref_slice %arg6[%dma_wait3A_115] : memref<24416xi32, #tpu.memory_space<vmem>> -> memref<2048xi32, #tpu.memory_space<vmem>>
      tpu.wait_dma2 semaphore(%arg8 : memref<!tpu.dma_semaphore, #tpu.memory_space<semaphore_mem>>) src(%dma_wait3A_116 : memref<2048xi32, #tpu.memory_space<vmem>>) dst(%dma_wait3A_114 : memref<2048xi32, #tpu.memory_space<vmem_shared>>)
      %dma_wait3A_117 = arith.constant 0 : i32
      %dma_wait3A_118 = tpu.memref_slice %arg6[%dma_wait3A_117] : memref<24416xi32, #tpu.memory_space<vmem>> -> memref<2048xi32, #tpu.memory_space<vmem>>
      %dma_wait3A_119 = tpu.memref_slice %arg7[%add3A_20] : memref<390656xi32, #tpu.memory_space<vmem_shared>> -> memref<2048xi32, #tpu.memory_space<vmem_shared>>
      %dma_wait3A_120 = tpu.memref_slice %arg7[%add3A_20] : memref<390656xi32, #tpu.memory_space<vmem_shared>> -> memref<2048xi32, #tpu.memory_space<vmem_shared>>
      %dma_wait3A_121 = arith.constant 0 : i32
      %dma_wait3A_122 = tpu.memref_slice %arg6[%dma_wait3A_121] : memref<24416xi32, #tpu.memory_space<vmem>> -> memref<2048xi32, #tpu.memory_space<vmem>>
      tpu.wait_dma2 semaphore(%arg8 : memref<!tpu.dma_semaphore, #tpu.memory_space<semaphore_mem>>) src(%dma_wait3A_122 : memref<2048xi32, #tpu.memory_space<vmem>>) dst(%dma_wait3A_120 : memref<2048xi32, #tpu.memory_space<vmem_shared>>)
      %dma_wait3A_123 = arith.constant 0 : i32
      %dma_wait3A_124 = tpu.memref_slice %arg6[%dma_wait3A_123] : memref<24416xi32, #tpu.memory_space<vmem>> -> memref<2048xi32, #tpu.memory_space<vmem>>
      %dma_wait3A_125 = tpu.memref_slice %arg7[%add3A_28] : memref<390656xi32, #tpu.memory_space<vmem_shared>> -> memref<2048xi32, #tpu.memory_space<vmem_shared>>
      %dma_wait3A_126 = tpu.memref_slice %arg7[%add3A_28] : memref<390656xi32, #tpu.memory_space<vmem_shared>> -> memref<2048xi32, #tpu.memory_space<vmem_shared>>
      %dma_wait3A_127 = arith.constant 0 : i32
      %dma_wait3A_128 = tpu.memref_slice %arg6[%dma_wait3A_127] : memref<24416xi32, #tpu.memory_space<vmem>> -> memref<2048xi32, #tpu.memory_space<vmem>>
      tpu.wait_dma2 semaphore(%arg8 : memref<!tpu.dma_semaphore, #tpu.memory_space<semaphore_mem>>) src(%dma_wait3A_128 : memref<2048xi32, #tpu.memory_space<vmem>>) dst(%dma_wait3A_126 : memref<2048xi32, #tpu.memory_space<vmem_shared>>)
      %dma_wait3A_129 = arith.constant 0 : i32
      %dma_wait3A_130 = tpu.memref_slice %arg6[%dma_wait3A_129] : memref<24416xi32, #tpu.memory_space<vmem>> -> memref<2048xi32, #tpu.memory_space<vmem>>
      %dma_wait3A_131 = tpu.memref_slice %arg7[%add3A_36] : memref<390656xi32, #tpu.memory_space<vmem_shared>> -> memref<2048xi32, #tpu.memory_space<vmem_shared>>
      %dma_wait3A_132 = tpu.memref_slice %arg7[%add3A_36] : memref<390656xi32, #tpu.memory_space<vmem_shared>> -> memref<2048xi32, #tpu.memory_space<vmem_shared>>
      %dma_wait3A_133 = arith.constant 0 : i32
      %dma_wait3A_134 = tpu.memref_slice %arg6[%dma_wait3A_133] : memref<24416xi32, #tpu.memory_space<vmem>> -> memref<2048xi32, #tpu.memory_space<vmem>>
      tpu.wait_dma2 semaphore(%arg8 : memref<!tpu.dma_semaphore, #tpu.memory_space<semaphore_mem>>) src(%dma_wait3A_134 : memref<2048xi32, #tpu.memory_space<vmem>>) dst(%dma_wait3A_132 : memref<2048xi32, #tpu.memory_space<vmem_shared>>)
      %dma_wait3A_135 = arith.constant 0 : i32
      %dma_wait3A_136 = tpu.memref_slice %arg6[%dma_wait3A_135] : memref<24416xi32, #tpu.memory_space<vmem>> -> memref<2048xi32, #tpu.memory_space<vmem>>
      %dma_wait3A_137 = tpu.memref_slice %arg7[%add3A_44] : memref<390656xi32, #tpu.memory_space<vmem_shared>> -> memref<2048xi32, #tpu.memory_space<vmem_shared>>
      %dma_wait3A_138 = tpu.memref_slice %arg7[%add3A_44] : memref<390656xi32, #tpu.memory_space<vmem_shared>> -> memref<2048xi32, #tpu.memory_space<vmem_shared>>
      %dma_wait3A_139 = arith.constant 0 : i32
      %dma_wait3A_140 = tpu.memref_slice %arg6[%dma_wait3A_139] : memref<24416xi32, #tpu.memory_space<vmem>> -> memref<2048xi32, #tpu.memory_space<vmem>>
      tpu.wait_dma2 semaphore(%arg8 : memref<!tpu.dma_semaphore, #tpu.memory_space<semaphore_mem>>) src(%dma_wait3A_140 : memref<2048xi32, #tpu.memory_space<vmem>>) dst(%dma_wait3A_138 : memref<2048xi32, #tpu.memory_space<vmem_shared>>)
      %dma_wait3A_141 = arith.constant 0 : i32
      %dma_wait3A_142 = tpu.memref_slice %arg6[%dma_wait3A_141] : memref<24416xi32, #tpu.memory_space<vmem>> -> memref<2048xi32, #tpu.memory_space<vmem>>
      %dma_wait3A_143 = tpu.memref_slice %arg7[%add3A_52] : memref<390656xi32, #tpu.memory_space<vmem_shared>> -> memref<2048xi32, #tpu.memory_space<vmem_shared>>
      %dma_wait3A_144 = tpu.memref_slice %arg7[%add3A_52] : memref<390656xi32, #tpu.memory_space<vmem_shared>> -> memref<2048xi32, #tpu.memory_space<vmem_shared>>
      %dma_wait3A_145 = arith.constant 0 : i32
      %dma_wait3A_146 = tpu.memref_slice %arg6[%dma_wait3A_145] : memref<24416xi32, #tpu.memory_space<vmem>> -> memref<2048xi32, #tpu.memory_space<vmem>>
      tpu.wait_dma2 semaphore(%arg8 : memref<!tpu.dma_semaphore, #tpu.memory_space<semaphore_mem>>) src(%dma_wait3A_146 : memref<2048xi32, #tpu.memory_space<vmem>>) dst(%dma_wait3A_144 : memref<2048xi32, #tpu.memory_space<vmem_shared>>)
      %dma_wait3A_147 = arith.constant 0 : i32
      %dma_wait3A_148 = tpu.memref_slice %arg6[%dma_wait3A_147] : memref<24416xi32, #tpu.memory_space<vmem>> -> memref<2048xi32, #tpu.memory_space<vmem>>
      %dma_wait3A_149 = tpu.memref_slice %arg7[%add3A_60] : memref<390656xi32, #tpu.memory_space<vmem_shared>> -> memref<2048xi32, #tpu.memory_space<vmem_shared>>
      %dma_wait3A_150 = tpu.memref_slice %arg7[%add3A_60] : memref<390656xi32, #tpu.memory_space<vmem_shared>> -> memref<2048xi32, #tpu.memory_space<vmem_shared>>
      %dma_wait3A_151 = arith.constant 0 : i32
      %dma_wait3A_152 = tpu.memref_slice %arg6[%dma_wait3A_151] : memref<24416xi32, #tpu.memory_space<vmem>> -> memref<2048xi32, #tpu.memory_space<vmem>>
      tpu.wait_dma2 semaphore(%arg8 : memref<!tpu.dma_semaphore, #tpu.memory_space<semaphore_mem>>) src(%dma_wait3A_152 : memref<2048xi32, #tpu.memory_space<vmem>>) dst(%dma_wait3A_150 : memref<2048xi32, #tpu.memory_space<vmem_shared>>)
      %dma_wait3A_153 = arith.constant 0 : i32
      %dma_wait3A_154 = tpu.memref_slice %arg6[%dma_wait3A_153] : memref<24416xi32, #tpu.memory_space<vmem>> -> memref<2048xi32, #tpu.memory_space<vmem>>
      %dma_wait3A_155 = tpu.memref_slice %arg7[%add3A_68] : memref<390656xi32, #tpu.memory_space<vmem_shared>> -> memref<2048xi32, #tpu.memory_space<vmem_shared>>
      %dma_wait3A_156 = tpu.memref_slice %arg7[%add3A_68] : memref<390656xi32, #tpu.memory_space<vmem_shared>> -> memref<2048xi32, #tpu.memory_space<vmem_shared>>
      %dma_wait3A_157 = arith.constant 0 : i32
      %dma_wait3A_158 = tpu.memref_slice %arg6[%dma_wait3A_157] : memref<24416xi32, #tpu.memory_space<vmem>> -> memref<2048xi32, #tpu.memory_space<vmem>>
      tpu.wait_dma2 semaphore(%arg8 : memref<!tpu.dma_semaphore, #tpu.memory_space<semaphore_mem>>) src(%dma_wait3A_158 : memref<2048xi32, #tpu.memory_space<vmem>>) dst(%dma_wait3A_156 : memref<2048xi32, #tpu.memory_space<vmem_shared>>)
      %dma_wait3A_159 = arith.constant 0 : i32
      %dma_wait3A_160 = tpu.memref_slice %arg6[%dma_wait3A_159] : memref<24416xi32, #tpu.memory_space<vmem>> -> memref<2048xi32, #tpu.memory_space<vmem>>
      %dma_wait3A_161 = tpu.memref_slice %arg7[%add3A_76] : memref<390656xi32, #tpu.memory_space<vmem_shared>> -> memref<2048xi32, #tpu.memory_space<vmem_shared>>
      %dma_wait3A_162 = tpu.memref_slice %arg7[%add3A_76] : memref<390656xi32, #tpu.memory_space<vmem_shared>> -> memref<2048xi32, #tpu.memory_space<vmem_shared>>
      %dma_wait3A_163 = arith.constant 0 : i32
      %dma_wait3A_164 = tpu.memref_slice %arg6[%dma_wait3A_163] : memref<24416xi32, #tpu.memory_space<vmem>> -> memref<2048xi32, #tpu.memory_space<vmem>>
      tpu.wait_dma2 semaphore(%arg8 : memref<!tpu.dma_semaphore, #tpu.memory_space<semaphore_mem>>) src(%dma_wait3A_164 : memref<2048xi32, #tpu.memory_space<vmem>>) dst(%dma_wait3A_162 : memref<2048xi32, #tpu.memory_space<vmem_shared>>)
      %dma_wait3A_165 = arith.constant 0 : i32
      %dma_wait3A_166 = tpu.memref_slice %arg6[%dma_wait3A_165] : memref<24416xi32, #tpu.memory_space<vmem>> -> memref<2048xi32, #tpu.memory_space<vmem>>
      %dma_wait3A_167 = tpu.memref_slice %arg7[%add3A_84] : memref<390656xi32, #tpu.memory_space<vmem_shared>> -> memref<2048xi32, #tpu.memory_space<vmem_shared>>
      %dma_wait3A_168 = tpu.memref_slice %arg7[%add3A_84] : memref<390656xi32, #tpu.memory_space<vmem_shared>> -> memref<2048xi32, #tpu.memory_space<vmem_shared>>
      %dma_wait3A_169 = arith.constant 0 : i32
      %dma_wait3A_170 = tpu.memref_slice %arg6[%dma_wait3A_169] : memref<24416xi32, #tpu.memory_space<vmem>> -> memref<2048xi32, #tpu.memory_space<vmem>>
      tpu.wait_dma2 semaphore(%arg8 : memref<!tpu.dma_semaphore, #tpu.memory_space<semaphore_mem>>) src(%dma_wait3A_170 : memref<2048xi32, #tpu.memory_space<vmem>>) dst(%dma_wait3A_168 : memref<2048xi32, #tpu.memory_space<vmem_shared>>)
      %dma_wait3A_171 = arith.constant 0 : i32
      %dma_wait3A_172 = tpu.memref_slice %arg6[%dma_wait3A_171] : memref<24416xi32, #tpu.memory_space<vmem>> -> memref<2048xi32, #tpu.memory_space<vmem>>
      %dma_wait3A_173 = tpu.memref_slice %arg7[%add3A_92] : memref<390656xi32, #tpu.memory_space<vmem_shared>> -> memref<2048xi32, #tpu.memory_space<vmem_shared>>
      %dma_wait3A_174 = tpu.memref_slice %arg7[%add3A_92] : memref<390656xi32, #tpu.memory_space<vmem_shared>> -> memref<2048xi32, #tpu.memory_space<vmem_shared>>
      %dma_wait3A_175 = arith.constant 0 : i32
      %dma_wait3A_176 = tpu.memref_slice %arg6[%dma_wait3A_175] : memref<24416xi32, #tpu.memory_space<vmem>> -> memref<2048xi32, #tpu.memory_space<vmem>>
      tpu.wait_dma2 semaphore(%arg8 : memref<!tpu.dma_semaphore, #tpu.memory_space<semaphore_mem>>) src(%dma_wait3A_176 : memref<2048xi32, #tpu.memory_space<vmem>>) dst(%dma_wait3A_174 : memref<2048xi32, #tpu.memory_space<vmem_shared>>)
      %dma_wait3A_177 = arith.constant 0 : i32
      %dma_wait3A_178 = tpu.memref_slice %arg6[%dma_wait3A_177] : memref<24416xi32, #tpu.memory_space<vmem>> -> memref<1888xi32, #tpu.memory_space<vmem>>
      %dma_wait3A_179 = tpu.memref_slice %arg7[%add3A_100] : memref<390656xi32, #tpu.memory_space<vmem_shared>> -> memref<1888xi32, #tpu.memory_space<vmem_shared>>
      %dma_wait3A_180 = tpu.memref_slice %arg7[%add3A_100] : memref<390656xi32, #tpu.memory_space<vmem_shared>> -> memref<1888xi32, #tpu.memory_space<vmem_shared>>
      %dma_wait3A_181 = arith.constant 0 : i32
      %dma_wait3A_182 = tpu.memref_slice %arg6[%dma_wait3A_181] : memref<24416xi32, #tpu.memory_space<vmem>> -> memref<1888xi32, #tpu.memory_space<vmem>>
      tpu.wait_dma2 semaphore(%arg8 : memref<!tpu.dma_semaphore, #tpu.memory_space<semaphore_mem>>) src(%dma_wait3A_182 : memref<1888xi32, #tpu.memory_space<vmem>>) dst(%dma_wait3A_180 : memref<1888xi32, #tpu.memory_space<vmem_shared>>)
      %dma_wait3A_183 = arith.constant 0 : i32
      %dma_wait3A_184 = tpu.memref_slice %arg2[%mul3A_4, %dma_wait3A_183] : memref<2048x128xi32, #tpu.memory_space<hbm>> -> memref<128x128xi32, #tpu.memory_space<hbm>>
      %dma_wait3A_185 = arith.constant 0 : i32
      %dma_wait3A_186 = tpu.memref_slice %arg2[%mul3A_4, %dma_wait3A_185] : memref<2048x128xi32, #tpu.memory_space<hbm>> -> memref<128x128xi32, #tpu.memory_space<hbm>>
      tpu.wait_dma2 semaphore(%arg9 : memref<!tpu.dma_semaphore, #tpu.memory_space<semaphore_mem>>) src(%dma_wait3A_186 : memref<128x128xi32, #tpu.memory_space<hbm>>) dst(%arg4 : memref<128x128xi32, #tpu.memory_space<vmem>>)
      %barrier3A = arith.constant 0 : index
      tpu.barrier barrier_id(%barrier3A)
      %dma_start3A_187 = arith.constant 0 : i32
      %dma_start3A_188 = arith.constant 0 : i32
      %dma_start3A_189 = tpu.memref_slice %arg4[%dma_start3A_187, %dma_start3A_188] : memref<128x128xi32, #tpu.memory_space<vmem>> -> memref<1x128xi32, #tpu.memory_space<vmem>>
      %dma_start3A_190 = tpu.memref_squeeze %dma_start3A_189 : memref<1x128xi32, #tpu.memory_space<vmem>> -> memref<128xi32, #tpu.memory_space<vmem>>
      %dma_start3A_191 = arith.constant 0 : i32
      %dma_start3A_192 = tpu.memref_slice %arg7[%dma_start3A_191] : memref<390656xi32, #tpu.memory_space<vmem_shared>> -> memref<390656xi32, #tpu.memory_space<vmem_shared>>
      tpu.enqueue_indirect_dma source(%arg5 : memref<128xi32, #tpu.memory_space<vmem>>) target(%dma_start3A_192 : memref<390656xi32, #tpu.memory_space<vmem_shared>>) offsets(%dma_start3A_190 : memref<128xi32, #tpu.memory_space<vmem>>) semaphore(%arg8 : memref<!tpu.dma_semaphore, #tpu.memory_space<semaphore_mem>>) {add = true}
      %dma_start3A_193 = arith.constant 1 : i32
      %dma_start3A_194 = arith.constant 0 : i32
      %dma_start3A_195 = tpu.memref_slice %arg4[%dma_start3A_193, %dma_start3A_194] : memref<128x128xi32, #tpu.memory_space<vmem>> -> memref<1x128xi32, #tpu.memory_space<vmem>>
      %dma_start3A_196 = tpu.memref_squeeze %dma_start3A_195 : memref<1x128xi32, #tpu.memory_space<vmem>> -> memref<128xi32, #tpu.memory_space<vmem>>
      %dma_start3A_197 = arith.constant 0 : i32
      %dma_start3A_198 = tpu.memref_slice %arg7[%dma_start3A_197] : memref<390656xi32, #tpu.memory_space<vmem_shared>> -> memref<390656xi32, #tpu.memory_space<vmem_shared>>
      tpu.enqueue_indirect_dma source(%arg5 : memref<128xi32, #tpu.memory_space<vmem>>) target(%dma_start3A_198 : memref<390656xi32, #tpu.memory_space<vmem_shared>>) offsets(%dma_start3A_196 : memref<128xi32, #tpu.memory_space<vmem>>) semaphore(%arg8 : memref<!tpu.dma_semaphore, #tpu.memory_space<semaphore_mem>>) {add = true}
      %dma_start3A_199 = arith.constant 2 : i32
      %dma_start3A_200 = arith.constant 0 : i32
      %dma_start3A_201 = tpu.memref_slice %arg4[%dma_start3A_199, %dma_start3A_200] : memref<128x128xi32, #tpu.memory_space<vmem>> -> memref<1x128xi32, #tpu.memory_space<vmem>>
      %dma_start3A_202 = tpu.memref_squeeze %dma_start3A_201 : memref<1x128xi32, #tpu.memory_space<vmem>> -> memref<128xi32, #tpu.memory_space<vmem>>
      %dma_start3A_203 = arith.constant 0 : i32
      %dma_start3A_204 = tpu.memref_slice %arg7[%dma_start3A_203] : memref<390656xi32, #tpu.memory_space<vmem_shared>> -> memref<390656xi32, #tpu.memory_space<vmem_shared>>
      tpu.enqueue_indirect_dma source(%arg5 : memref<128xi32, #tpu.memory_space<vmem>>) target(%dma_start3A_204 : memref<390656xi32, #tpu.memory_space<vmem_shared>>) offsets(%dma_start3A_202 : memref<128xi32, #tpu.memory_space<vmem>>) semaphore(%arg8 : memref<!tpu.dma_semaphore, #tpu.memory_space<semaphore_mem>>) {add = true}
      %dma_start3A_205 = arith.constant 3 : i32
      %dma_start3A_206 = arith.constant 0 : i32
      %dma_start3A_207 = tpu.memref_slice %arg4[%dma_start3A_205, %dma_start3A_206] : memref<128x128xi32, #tpu.memory_space<vmem>> -> memref<1x128xi32, #tpu.memory_space<vmem>>
      %dma_start3A_208 = tpu.memref_squeeze %dma_start3A_207 : memref<1x128xi32, #tpu.memory_space<vmem>> -> memref<128xi32, #tpu.memory_space<vmem>>
      %dma_start3A_209 = arith.constant 0 : i32
      %dma_start3A_210 = tpu.memref_slice %arg7[%dma_start3A_209] : memref<390656xi32, #tpu.memory_space<vmem_shared>> -> memref<390656xi32, #tpu.memory_space<vmem_shared>>
      tpu.enqueue_indirect_dma source(%arg5 : memref<128xi32, #tpu.memory_space<vmem>>) target(%dma_start3A_210 : memref<390656xi32, #tpu.memory_space<vmem_shared>>) offsets(%dma_start3A_208 : memref<128xi32, #tpu.memory_space<vmem>>) semaphore(%arg8 : memref<!tpu.dma_semaphore, #tpu.memory_space<semaphore_mem>>) {add = true}
      %dma_start3A_211 = arith.constant 4 : i32
      %dma_start3A_212 = arith.constant 0 : i32
      %dma_start3A_213 = tpu.memref_slice %arg4[%dma_start3A_211, %dma_start3A_212] : memref<128x128xi32, #tpu.memory_space<vmem>> -> memref<1x128xi32, #tpu.memory_space<vmem>>
      %dma_start3A_214 = tpu.memref_squeeze %dma_start3A_213 : memref<1x128xi32, #tpu.memory_space<vmem>> -> memref<128xi32, #tpu.memory_space<vmem>>
      %dma_start3A_215 = arith.constant 0 : i32
      %dma_start3A_216 = tpu.memref_slice %arg7[%dma_start3A_215] : memref<390656xi32, #tpu.memory_space<vmem_shared>> -> memref<390656xi32, #tpu.memory_space<vmem_shared>>
      tpu.enqueue_indirect_dma source(%arg5 : memref<128xi32, #tpu.memory_space<vmem>>) target(%dma_start3A_216 : memref<390656xi32, #tpu.memory_space<vmem_shared>>) offsets(%dma_start3A_214 : memref<128xi32, #tpu.memory_space<vmem>>) semaphore(%arg8 : memref<!tpu.dma_semaphore, #tpu.memory_space<semaphore_mem>>) {add = true}
      %dma_start3A_217 = arith.constant 5 : i32
      %dma_start3A_218 = arith.constant 0 : i32
      %dma_start3A_219 = tpu.memref_slice %arg4[%dma_start3A_217, %dma_start3A_218] : memref<128x128xi32, #tpu.memory_space<vmem>> -> memref<1x128xi32, #tpu.memory_space<vmem>>
      %dma_start3A_220 = tpu.memref_squeeze %dma_start3A_219 : memref<1x128xi32, #tpu.memory_space<vmem>> -> memref<128xi32, #tpu.memory_space<vmem>>
      %dma_start3A_221 = arith.constant 0 : i32
      %dma_start3A_222 = tpu.memref_slice %arg7[%dma_start3A_221] : memref<390656xi32, #tpu.memory_space<vmem_shared>> -> memref<390656xi32, #tpu.memory_space<vmem_shared>>
      tpu.enqueue_indirect_dma source(%arg5 : memref<128xi32, #tpu.memory_space<vmem>>) target(%dma_start3A_222 : memref<390656xi32, #tpu.memory_space<vmem_shared>>) offsets(%dma_start3A_220 : memref<128xi32, #tpu.memory_space<vmem>>) semaphore(%arg8 : memref<!tpu.dma_semaphore, #tpu.memory_space<semaphore_mem>>) {add = true}
      %dma_start3A_223 = arith.constant 6 : i32
      %dma_start3A_224 = arith.constant 0 : i32
      %dma_start3A_225 = tpu.memref_slice %arg4[%dma_start3A_223, %dma_start3A_224] : memref<128x128xi32, #tpu.memory_space<vmem>> -> memref<1x128xi32, #tpu.memory_space<vmem>>
      %dma_start3A_226 = tpu.memref_squeeze %dma_start3A_225 : memref<1x128xi32, #tpu.memory_space<vmem>> -> memref<128xi32, #tpu.memory_space<vmem>>
      %dma_start3A_227 = arith.constant 0 : i32
      %dma_start3A_228 = tpu.memref_slice %arg7[%dma_start3A_227] : memref<390656xi32, #tpu.memory_space<vmem_shared>> -> memref<390656xi32, #tpu.memory_space<vmem_shared>>
      tpu.enqueue_indirect_dma source(%arg5 : memref<128xi32, #tpu.memory_space<vmem>>) target(%dma_start3A_228 : memref<390656xi32, #tpu.memory_space<vmem_shared>>) offsets(%dma_start3A_226 : memref<128xi32, #tpu.memory_space<vmem>>) semaphore(%arg8 : memref<!tpu.dma_semaphore, #tpu.memory_space<semaphore_mem>>) {add = true}
      %dma_start3A_229 = arith.constant 7 : i32
      %dma_start3A_230 = arith.constant 0 : i32
      %dma_start3A_231 = tpu.memref_slice %arg4[%dma_start3A_229, %dma_start3A_230] : memref<128x128xi32, #tpu.memory_space<vmem>> -> memref<1x128xi32, #tpu.memory_space<vmem>>
      %dma_start3A_232 = tpu.memref_squeeze %dma_start3A_231 : memref<1x128xi32, #tpu.memory_space<vmem>> -> memref<128xi32, #tpu.memory_space<vmem>>
      %dma_start3A_233 = arith.constant 0 : i32
      %dma_start3A_234 = tpu.memref_slice %arg7[%dma_start3A_233] : memref<390656xi32, #tpu.memory_space<vmem_shared>> -> memref<390656xi32, #tpu.memory_space<vmem_shared>>
      tpu.enqueue_indirect_dma source(%arg5 : memref<128xi32, #tpu.memory_space<vmem>>) target(%dma_start3A_234 : memref<390656xi32, #tpu.memory_space<vmem_shared>>) offsets(%dma_start3A_232 : memref<128xi32, #tpu.memory_space<vmem>>) semaphore(%arg8 : memref<!tpu.dma_semaphore, #tpu.memory_space<semaphore_mem>>) {add = true}
      %dma_start3A_235 = arith.constant 8 : i32
      %dma_start3A_236 = arith.constant 0 : i32
      %dma_start3A_237 = tpu.memref_slice %arg4[%dma_start3A_235, %dma_start3A_236] : memref<128x128xi32, #tpu.memory_space<vmem>> -> memref<1x128xi32, #tpu.memory_space<vmem>>
      %dma_start3A_238 = tpu.memref_squeeze %dma_start3A_237 : memref<1x128xi32, #tpu.memory_space<vmem>> -> memref<128xi32, #tpu.memory_space<vmem>>
      %dma_start3A_239 = arith.constant 0 : i32
      %dma_start3A_240 = tpu.memref_slice %arg7[%dma_start3A_239] : memref<390656xi32, #tpu.memory_space<vmem_shared>> -> memref<390656xi32, #tpu.memory_space<vmem_shared>>
      tpu.enqueue_indirect_dma source(%arg5 : memref<128xi32, #tpu.memory_space<vmem>>) target(%dma_start3A_240 : memref<390656xi32, #tpu.memory_space<vmem_shared>>) offsets(%dma_start3A_238 : memref<128xi32, #tpu.memory_space<vmem>>) semaphore(%arg8 : memref<!tpu.dma_semaphore, #tpu.memory_space<semaphore_mem>>) {add = true}
      %dma_start3A_241 = arith.constant 9 : i32
      %dma_start3A_242 = arith.constant 0 : i32
      %dma_start3A_243 = tpu.memref_slice %arg4[%dma_start3A_241, %dma_start3A_242] : memref<128x128xi32, #tpu.memory_space<vmem>> -> memref<1x128xi32, #tpu.memory_space<vmem>>
      %dma_start3A_244 = tpu.memref_squeeze %dma_start3A_243 : memref<1x128xi32, #tpu.memory_space<vmem>> -> memref<128xi32, #tpu.memory_space<vmem>>
      %dma_start3A_245 = arith.constant 0 : i32
      %dma_start3A_246 = tpu.memref_slice %arg7[%dma_start3A_245] : memref<390656xi32, #tpu.memory_space<vmem_shared>> -> memref<390656xi32, #tpu.memory_space<vmem_shared>>
      tpu.enqueue_indirect_dma source(%arg5 : memref<128xi32, #tpu.memory_space<vmem>>) target(%dma_start3A_246 : memref<390656xi32, #tpu.memory_space<vmem_shared>>) offsets(%dma_start3A_244 : memref<128xi32, #tpu.memory_space<vmem>>) semaphore(%arg8 : memref<!tpu.dma_semaphore, #tpu.memory_space<semaphore_mem>>) {add = true}
      %dma_start3A_247 = arith.constant 10 : i32
      %dma_start3A_248 = arith.constant 0 : i32
      %dma_start3A_249 = tpu.memref_slice %arg4[%dma_start3A_247, %dma_start3A_248] : memref<128x128xi32, #tpu.memory_space<vmem>> -> memref<1x128xi32, #tpu.memory_space<vmem>>
      %dma_start3A_250 = tpu.memref_squeeze %dma_start3A_249 : memref<1x128xi32, #tpu.memory_space<vmem>> -> memref<128xi32, #tpu.memory_space<vmem>>
      %dma_start3A_251 = arith.constant 0 : i32
      %dma_start3A_252 = tpu.memref_slice %arg7[%dma_start3A_251] : memref<390656xi32, #tpu.memory_space<vmem_shared>> -> memref<390656xi32, #tpu.memory_space<vmem_shared>>
      tpu.enqueue_indirect_dma source(%arg5 : memref<128xi32, #tpu.memory_space<vmem>>) target(%dma_start3A_252 : memref<390656xi32, #tpu.memory_space<vmem_shared>>) offsets(%dma_start3A_250 : memref<128xi32, #tpu.memory_space<vmem>>) semaphore(%arg8 : memref<!tpu.dma_semaphore, #tpu.memory_space<semaphore_mem>>) {add = true}
      %dma_start3A_253 = arith.constant 11 : i32
      %dma_start3A_254 = arith.constant 0 : i32
      %dma_start3A_255 = tpu.memref_slice %arg4[%dma_start3A_253, %dma_start3A_254] : memref<128x128xi32, #tpu.memory_space<vmem>> -> memref<1x128xi32, #tpu.memory_space<vmem>>
      %dma_start3A_256 = tpu.memref_squeeze %dma_start3A_255 : memref<1x128xi32, #tpu.memory_space<vmem>> -> memref<128xi32, #tpu.memory_space<vmem>>
      %dma_start3A_257 = arith.constant 0 : i32
      %dma_start3A_258 = tpu.memref_slice %arg7[%dma_start3A_257] : memref<390656xi32, #tpu.memory_space<vmem_shared>> -> memref<390656xi32, #tpu.memory_space<vmem_shared>>
      tpu.enqueue_indirect_dma source(%arg5 : memref<128xi32, #tpu.memory_space<vmem>>) target(%dma_start3A_258 : memref<390656xi32, #tpu.memory_space<vmem_shared>>) offsets(%dma_start3A_256 : memref<128xi32, #tpu.memory_space<vmem>>) semaphore(%arg8 : memref<!tpu.dma_semaphore, #tpu.memory_space<semaphore_mem>>) {add = true}
      %dma_start3A_259 = arith.constant 12 : i32
      %dma_start3A_260 = arith.constant 0 : i32
      %dma_start3A_261 = tpu.memref_slice %arg4[%dma_start3A_259, %dma_start3A_260] : memref<128x128xi32, #tpu.memory_space<vmem>> -> memref<1x128xi32, #tpu.memory_space<vmem>>
      %dma_start3A_262 = tpu.memref_squeeze %dma_start3A_261 : memref<1x128xi32, #tpu.memory_space<vmem>> -> memref<128xi32, #tpu.memory_space<vmem>>
      %dma_start3A_263 = arith.constant 0 : i32
      %dma_start3A_264 = tpu.memref_slice %arg7[%dma_start3A_263] : memref<390656xi32, #tpu.memory_space<vmem_shared>> -> memref<390656xi32, #tpu.memory_space<vmem_shared>>
      tpu.enqueue_indirect_dma source(%arg5 : memref<128xi32, #tpu.memory_space<vmem>>) target(%dma_start3A_264 : memref<390656xi32, #tpu.memory_space<vmem_shared>>) offsets(%dma_start3A_262 : memref<128xi32, #tpu.memory_space<vmem>>) semaphore(%arg8 : memref<!tpu.dma_semaphore, #tpu.memory_space<semaphore_mem>>) {add = true}
      %dma_start3A_265 = arith.constant 13 : i32
      %dma_start3A_266 = arith.constant 0 : i32
      %dma_start3A_267 = tpu.memref_slice %arg4[%dma_start3A_265, %dma_start3A_266] : memref<128x128xi32, #tpu.memory_space<vmem>> -> memref<1x128xi32, #tpu.memory_space<vmem>>
      %dma_start3A_268 = tpu.memref_squeeze %dma_start3A_267 : memref<1x128xi32, #tpu.memory_space<vmem>> -> memref<128xi32, #tpu.memory_space<vmem>>
      %dma_start3A_269 = arith.constant 0 : i32
      %dma_start3A_270 = tpu.memref_slice %arg7[%dma_start3A_269] : memref<390656xi32, #tpu.memory_space<vmem_shared>> -> memref<390656xi32, #tpu.memory_space<vmem_shared>>
      tpu.enqueue_indirect_dma source(%arg5 : memref<128xi32, #tpu.memory_space<vmem>>) target(%dma_start3A_270 : memref<390656xi32, #tpu.memory_space<vmem_shared>>) offsets(%dma_start3A_268 : memref<128xi32, #tpu.memory_space<vmem>>) semaphore(%arg8 : memref<!tpu.dma_semaphore, #tpu.memory_space<semaphore_mem>>) {add = true}
      %dma_start3A_271 = arith.constant 14 : i32
      %dma_start3A_272 = arith.constant 0 : i32
      %dma_start3A_273 = tpu.memref_slice %arg4[%dma_start3A_271, %dma_start3A_272] : memref<128x128xi32, #tpu.memory_space<vmem>> -> memref<1x128xi32, #tpu.memory_space<vmem>>
      %dma_start3A_274 = tpu.memref_squeeze %dma_start3A_273 : memref<1x128xi32, #tpu.memory_space<vmem>> -> memref<128xi32, #tpu.memory_space<vmem>>
      %dma_start3A_275 = arith.constant 0 : i32
      %dma_start3A_276 = tpu.memref_slice %arg7[%dma_start3A_275] : memref<390656xi32, #tpu.memory_space<vmem_shared>> -> memref<390656xi32, #tpu.memory_space<vmem_shared>>
      tpu.enqueue_indirect_dma source(%arg5 : memref<128xi32, #tpu.memory_space<vmem>>) target(%dma_start3A_276 : memref<390656xi32, #tpu.memory_space<vmem_shared>>) offsets(%dma_start3A_274 : memref<128xi32, #tpu.memory_space<vmem>>) semaphore(%arg8 : memref<!tpu.dma_semaphore, #tpu.memory_space<semaphore_mem>>) {add = true}
      %dma_start3A_277 = arith.constant 15 : i32
      %dma_start3A_278 = arith.constant 0 : i32
      %dma_start3A_279 = tpu.memref_slice %arg4[%dma_start3A_277, %dma_start3A_278] : memref<128x128xi32, #tpu.memory_space<vmem>> -> memref<1x128xi32, #tpu.memory_space<vmem>>
      %dma_start3A_280 = tpu.memref_squeeze %dma_start3A_279 : memref<1x128xi32, #tpu.memory_space<vmem>> -> memref<128xi32, #tpu.memory_space<vmem>>
      %dma_start3A_281 = arith.constant 0 : i32
      %dma_start3A_282 = tpu.memref_slice %arg7[%dma_start3A_281] : memref<390656xi32, #tpu.memory_space<vmem_shared>> -> memref<390656xi32, #tpu.memory_space<vmem_shared>>
      tpu.enqueue_indirect_dma source(%arg5 : memref<128xi32, #tpu.memory_space<vmem>>) target(%dma_start3A_282 : memref<390656xi32, #tpu.memory_space<vmem_shared>>) offsets(%dma_start3A_280 : memref<128xi32, #tpu.memory_space<vmem>>) semaphore(%arg8 : memref<!tpu.dma_semaphore, #tpu.memory_space<semaphore_mem>>) {add = true}
      %scan3A_283 = arith.constant 0 : i32
      %scan3A_284 = arith.constant 112 : i32
      %scan3A_285 = arith.addi %scan3A_283, %scan3A_284 : i32
      %scan3A_286 = arith.constant 1 : i32
      scf.for %scan3A_593 = %scan3A_283 to %scan3A_285 step %scan3A_286  : i32 {
        %mul3A_594 = arith.constant 1 : i32
        %mul3A_595 = arith.muli %scan3A_593, %mul3A_594 : i32
        %add3A_596 = arith.constant 16 : i32
        %add3A_597 = arith.addi %add3A_596, %mul3A_595 : i32
        %dma_wait3A_598 = arith.constant 0 : i32
        %dma_wait3A_599 = arith.constant 0 : i32
        %dma_wait3A_600 = tpu.memref_slice %arg2[%dma_wait3A_598, %dma_wait3A_599] : memref<2048x128xi32, #tpu.memory_space<hbm>> -> memref<1x128xi32, #tpu.memory_space<hbm>>
        %dma_wait3A_601 = tpu.memref_squeeze %dma_wait3A_600 : memref<1x128xi32, #tpu.memory_space<hbm>> -> memref<128xi32, #tpu.memory_space<hbm>>
        %dma_wait3A_602 = arith.constant 0 : i32
        %dma_wait3A_603 = tpu.memref_slice %arg2[%dma_wait3A_598, %dma_wait3A_602] : memref<2048x128xi32, #tpu.memory_space<hbm>> -> memref<1x128xi32, #tpu.memory_space<hbm>>
        %dma_wait3A_604 = tpu.memref_squeeze %dma_wait3A_603 : memref<1x128xi32, #tpu.memory_space<hbm>> -> memref<128xi32, #tpu.memory_space<hbm>>
        tpu.wait_dma2 semaphore(%arg8 : memref<!tpu.dma_semaphore, #tpu.memory_space<semaphore_mem>>) src(%dma_wait3A_604 : memref<128xi32, #tpu.memory_space<hbm>>) dst(%arg5 : memref<128xi32, #tpu.memory_space<vmem>>)
        %dma_start3A_605 = arith.constant 0 : i32
        %dma_start3A_606 = tpu.memref_slice %arg4[%add3A_597, %dma_start3A_605] : memref<128x128xi32, #tpu.memory_space<vmem>> -> memref<1x128xi32, #tpu.memory_space<vmem>>
        %dma_start3A_607 = tpu.memref_squeeze %dma_start3A_606 : memref<1x128xi32, #tpu.memory_space<vmem>> -> memref<128xi32, #tpu.memory_space<vmem>>
        %dma_start3A_608 = arith.constant 0 : i32
        %dma_start3A_609 = tpu.memref_slice %arg7[%dma_start3A_608] : memref<390656xi32, #tpu.memory_space<vmem_shared>> -> memref<390656xi32, #tpu.memory_space<vmem_shared>>
        tpu.enqueue_indirect_dma source(%arg5 : memref<128xi32, #tpu.memory_space<vmem>>) target(%dma_start3A_609 : memref<390656xi32, #tpu.memory_space<vmem_shared>>) offsets(%dma_start3A_607 : memref<128xi32, #tpu.memory_space<vmem>>) semaphore(%arg8 : memref<!tpu.dma_semaphore, #tpu.memory_space<semaphore_mem>>) {add = true}
      }
      %scan3A_287 = arith.constant 112 : i32
      %dma_wait3A_288 = arith.constant 0 : i32
      %dma_wait3A_289 = arith.constant 0 : i32
      %dma_wait3A_290 = tpu.memref_slice %arg2[%dma_wait3A_288, %dma_wait3A_289] : memref<2048x128xi32, #tpu.memory_space<hbm>> -> memref<1x128xi32, #tpu.memory_space<hbm>>
      %dma_wait3A_291 = tpu.memref_squeeze %dma_wait3A_290 : memref<1x128xi32, #tpu.memory_space<hbm>> -> memref<128xi32, #tpu.memory_space<hbm>>
      %dma_wait3A_292 = arith.constant 0 : i32
      %dma_wait3A_293 = tpu.memref_slice %arg2[%dma_wait3A_288, %dma_wait3A_292] : memref<2048x128xi32, #tpu.memory_space<hbm>> -> memref<1x128xi32, #tpu.memory_space<hbm>>
      %dma_wait3A_294 = tpu.memref_squeeze %dma_wait3A_293 : memref<1x128xi32, #tpu.memory_space<hbm>> -> memref<128xi32, #tpu.memory_space<hbm>>
      tpu.wait_dma2 semaphore(%arg8 : memref<!tpu.dma_semaphore, #tpu.memory_space<semaphore_mem>>) src(%dma_wait3A_294 : memref<128xi32, #tpu.memory_space<hbm>>) dst(%arg5 : memref<128xi32, #tpu.memory_space<vmem>>)
      %dma_wait3A_295 = arith.constant 0 : i32
      %dma_wait3A_296 = arith.constant 0 : i32
      %dma_wait3A_297 = tpu.memref_slice %arg2[%dma_wait3A_295, %dma_wait3A_296] : memref<2048x128xi32, #tpu.memory_space<hbm>> -> memref<1x128xi32, #tpu.memory_space<hbm>>
      %dma_wait3A_298 = tpu.memref_squeeze %dma_wait3A_297 : memref<1x128xi32, #tpu.memory_space<hbm>> -> memref<128xi32, #tpu.memory_space<hbm>>
      %dma_wait3A_299 = arith.constant 0 : i32
      %dma_wait3A_300 = tpu.memref_slice %arg2[%dma_wait3A_295, %dma_wait3A_299] : memref<2048x128xi32, #tpu.memory_space<hbm>> -> memref<1x128xi32, #tpu.memory_space<hbm>>
      %dma_wait3A_301 = tpu.memref_squeeze %dma_wait3A_300 : memref<1x128xi32, #tpu.memory_space<hbm>> -> memref<128xi32, #tpu.memory_space<hbm>>
      tpu.wait_dma2 semaphore(%arg8 : memref<!tpu.dma_semaphore, #tpu.memory_space<semaphore_mem>>) src(%dma_wait3A_301 : memref<128xi32, #tpu.memory_space<hbm>>) dst(%arg5 : memref<128xi32, #tpu.memory_space<vmem>>)
      %dma_wait3A_302 = arith.constant 0 : i32
      %dma_wait3A_303 = arith.constant 0 : i32
      %dma_wait3A_304 = tpu.memref_slice %arg2[%dma_wait3A_302, %dma_wait3A_303] : memref<2048x128xi32, #tpu.memory_space<hbm>> -> memref<1x128xi32, #tpu.memory_space<hbm>>
      %dma_wait3A_305 = tpu.memref_squeeze %dma_wait3A_304 : memref<1x128xi32, #tpu.memory_space<hbm>> -> memref<128xi32, #tpu.memory_space<hbm>>
      %dma_wait3A_306 = arith.constant 0 : i32
      %dma_wait3A_307 = tpu.memref_slice %arg2[%dma_wait3A_302, %dma_wait3A_306] : memref<2048x128xi32, #tpu.memory_space<hbm>> -> memref<1x128xi32, #tpu.memory_space<hbm>>
      %dma_wait3A_308 = tpu.memref_squeeze %dma_wait3A_307 : memref<1x128xi32, #tpu.memory_space<hbm>> -> memref<128xi32, #tpu.memory_space<hbm>>
      tpu.wait_dma2 semaphore(%arg8 : memref<!tpu.dma_semaphore, #tpu.memory_space<semaphore_mem>>) src(%dma_wait3A_308 : memref<128xi32, #tpu.memory_space<hbm>>) dst(%arg5 : memref<128xi32, #tpu.memory_space<vmem>>)
      %dma_wait3A_309 = arith.constant 0 : i32
      %dma_wait3A_310 = arith.constant 0 : i32
      %dma_wait3A_311 = tpu.memref_slice %arg2[%dma_wait3A_309, %dma_wait3A_310] : memref<2048x128xi32, #tpu.memory_space<hbm>> -> memref<1x128xi32, #tpu.memory_space<hbm>>
      %dma_wait3A_312 = tpu.memref_squeeze %dma_wait3A_311 : memref<1x128xi32, #tpu.memory_space<hbm>> -> memref<128xi32, #tpu.memory_space<hbm>>
      %dma_wait3A_313 = arith.constant 0 : i32
      %dma_wait3A_314 = tpu.memref_slice %arg2[%dma_wait3A_309, %dma_wait3A_313] : memref<2048x128xi32, #tpu.memory_space<hbm>> -> memref<1x128xi32, #tpu.memory_space<hbm>>
      %dma_wait3A_315 = tpu.memref_squeeze %dma_wait3A_314 : memref<1x128xi32, #tpu.memory_space<hbm>> -> memref<128xi32, #tpu.memory_space<hbm>>
      tpu.wait_dma2 semaphore(%arg8 : memref<!tpu.dma_semaphore, #tpu.memory_space<semaphore_mem>>) src(%dma_wait3A_315 : memref<128xi32, #tpu.memory_space<hbm>>) dst(%arg5 : memref<128xi32, #tpu.memory_space<vmem>>)
      %dma_wait3A_316 = arith.constant 0 : i32
      %dma_wait3A_317 = arith.constant 0 : i32
      %dma_wait3A_318 = tpu.memref_slice %arg2[%dma_wait3A_316, %dma_wait3A_317] : memref<2048x128xi32, #tpu.memory_space<hbm>> -> memref<1x128xi32, #tpu.memory_space<hbm>>
      %dma_wait3A_319 = tpu.memref_squeeze %dma_wait3A_318 : memref<1x128xi32, #tpu.memory_space<hbm>> -> memref<128xi32, #tpu.memory_space<hbm>>
      %dma_wait3A_320 = arith.constant 0 : i32
      %dma_wait3A_321 = tpu.memref_slice %arg2[%dma_wait3A_316, %dma_wait3A_320] : memref<2048x128xi32, #tpu.memory_space<hbm>> -> memref<1x128xi32, #tpu.memory_space<hbm>>
      %dma_wait3A_322 = tpu.memref_squeeze %dma_wait3A_321 : memref<1x128xi32, #tpu.memory_space<hbm>> -> memref<128xi32, #tpu.memory_space<hbm>>
      tpu.wait_dma2 semaphore(%arg8 : memref<!tpu.dma_semaphore, #tpu.memory_space<semaphore_mem>>) src(%dma_wait3A_322 : memref<128xi32, #tpu.memory_space<hbm>>) dst(%arg5 : memref<128xi32, #tpu.memory_space<vmem>>)
      %dma_wait3A_323 = arith.constant 0 : i32
      %dma_wait3A_324 = arith.constant 0 : i32
      %dma_wait3A_325 = tpu.memref_slice %arg2[%dma_wait3A_323, %dma_wait3A_324] : memref<2048x128xi32, #tpu.memory_space<hbm>> -> memref<1x128xi32, #tpu.memory_space<hbm>>
      %dma_wait3A_326 = tpu.memref_squeeze %dma_wait3A_325 : memref<1x128xi32, #tpu.memory_space<hbm>> -> memref<128xi32, #tpu.memory_space<hbm>>
      %dma_wait3A_327 = arith.constant 0 : i32
      %dma_wait3A_328 = tpu.memref_slice %arg2[%dma_wait3A_323, %dma_wait3A_327] : memref<2048x128xi32, #tpu.memory_space<hbm>> -> memref<1x128xi32, #tpu.memory_space<hbm>>
      %dma_wait3A_329 = tpu.memref_squeeze %dma_wait3A_328 : memref<1x128xi32, #tpu.memory_space<hbm>> -> memref<128xi32, #tpu.memory_space<hbm>>
      tpu.wait_dma2 semaphore(%arg8 : memref<!tpu.dma_semaphore, #tpu.memory_space<semaphore_mem>>) src(%dma_wait3A_329 : memref<128xi32, #tpu.memory_space<hbm>>) dst(%arg5 : memref<128xi32, #tpu.memory_space<vmem>>)
      %dma_wait3A_330 = arith.constant 0 : i32
      %dma_wait3A_331 = arith.constant 0 : i32
      %dma_wait3A_332 = tpu.memref_slice %arg2[%dma_wait3A_330, %dma_wait3A_331] : memref<2048x128xi32, #tpu.memory_space<hbm>> -> memref<1x128xi32, #tpu.memory_space<hbm>>
      %dma_wait3A_333 = tpu.memref_squeeze %dma_wait3A_332 : memref<1x128xi32, #tpu.memory_space<hbm>> -> memref<128xi32, #tpu.memory_space<hbm>>
      %dma_wait3A_334 = arith.constant 0 : i32
      %dma_wait3A_335 = tpu.memref_slice %arg2[%dma_wait3A_330, %dma_wait3A_334] : memref<2048x128xi32, #tpu.memory_space<hbm>> -> memref<1x128xi32, #tpu.memory_space<hbm>>
      %dma_wait3A_336 = tpu.memref_squeeze %dma_wait3A_335 : memref<1x128xi32, #tpu.memory_space<hbm>> -> memref<128xi32, #tpu.memory_space<hbm>>
      tpu.wait_dma2 semaphore(%arg8 : memref<!tpu.dma_semaphore, #tpu.memory_space<semaphore_mem>>) src(%dma_wait3A_336 : memref<128xi32, #tpu.memory_space<hbm>>) dst(%arg5 : memref<128xi32, #tpu.memory_space<vmem>>)
      %dma_wait3A_337 = arith.constant 0 : i32
      %dma_wait3A_338 = arith.constant 0 : i32
      %dma_wait3A_339 = tpu.memref_slice %arg2[%dma_wait3A_337, %dma_wait3A_338] : memref<2048x128xi32, #tpu.memory_space<hbm>> -> memref<1x128xi32, #tpu.memory_space<hbm>>
      %dma_wait3A_340 = tpu.memref_squeeze %dma_wait3A_339 : memref<1x128xi32, #tpu.memory_space<hbm>> -> memref<128xi32, #tpu.memory_space<hbm>>
      %dma_wait3A_341 = arith.constant 0 : i32
      %dma_wait3A_342 = tpu.memref_slice %arg2[%dma_wait3A_337, %dma_wait3A_341] : memref<2048x128xi32, #tpu.memory_space<hbm>> -> memref<1x128xi32, #tpu.memory_space<hbm>>
      %dma_wait3A_343 = tpu.memref_squeeze %dma_wait3A_342 : memref<1x128xi32, #tpu.memory_space<hbm>> -> memref<128xi32, #tpu.memory_space<hbm>>
      tpu.wait_dma2 semaphore(%arg8 : memref<!tpu.dma_semaphore, #tpu.memory_space<semaphore_mem>>) src(%dma_wait3A_343 : memref<128xi32, #tpu.memory_space<hbm>>) dst(%arg5 : memref<128xi32, #tpu.memory_space<vmem>>)
      %dma_wait3A_344 = arith.constant 0 : i32
      %dma_wait3A_345 = arith.constant 0 : i32
      %dma_wait3A_346 = tpu.memref_slice %arg2[%dma_wait3A_344, %dma_wait3A_345] : memref<2048x128xi32, #tpu.memory_space<hbm>> -> memref<1x128xi32, #tpu.memory_space<hbm>>
      %dma_wait3A_347 = tpu.memref_squeeze %dma_wait3A_346 : memref<1x128xi32, #tpu.memory_space<hbm>> -> memref<128xi32, #tpu.memory_space<hbm>>
      %dma_wait3A_348 = arith.constant 0 : i32
      %dma_wait3A_349 = tpu.memref_slice %arg2[%dma_wait3A_344, %dma_wait3A_348] : memref<2048x128xi32, #tpu.memory_space<hbm>> -> memref<1x128xi32, #tpu.memory_space<hbm>>
      %dma_wait3A_350 = tpu.memref_squeeze %dma_wait3A_349 : memref<1x128xi32, #tpu.memory_space<hbm>> -> memref<128xi32, #tpu.memory_space<hbm>>
      tpu.wait_dma2 semaphore(%arg8 : memref<!tpu.dma_semaphore, #tpu.memory_space<semaphore_mem>>) src(%dma_wait3A_350 : memref<128xi32, #tpu.memory_space<hbm>>) dst(%arg5 : memref<128xi32, #tpu.memory_space<vmem>>)
      %dma_wait3A_351 = arith.constant 0 : i32
      %dma_wait3A_352 = arith.constant 0 : i32
      %dma_wait3A_353 = tpu.memref_slice %arg2[%dma_wait3A_351, %dma_wait3A_352] : memref<2048x128xi32, #tpu.memory_space<hbm>> -> memref<1x128xi32, #tpu.memory_space<hbm>>
      %dma_wait3A_354 = tpu.memref_squeeze %dma_wait3A_353 : memref<1x128xi32, #tpu.memory_space<hbm>> -> memref<128xi32, #tpu.memory_space<hbm>>
      %dma_wait3A_355 = arith.constant 0 : i32
      %dma_wait3A_356 = tpu.memref_slice %arg2[%dma_wait3A_351, %dma_wait3A_355] : memref<2048x128xi32, #tpu.memory_space<hbm>> -> memref<1x128xi32, #tpu.memory_space<hbm>>
      %dma_wait3A_357 = tpu.memref_squeeze %dma_wait3A_356 : memref<1x128xi32, #tpu.memory_space<hbm>> -> memref<128xi32, #tpu.memory_space<hbm>>
      tpu.wait_dma2 semaphore(%arg8 : memref<!tpu.dma_semaphore, #tpu.memory_space<semaphore_mem>>) src(%dma_wait3A_357 : memref<128xi32, #tpu.memory_space<hbm>>) dst(%arg5 : memref<128xi32, #tpu.memory_space<vmem>>)
      %dma_wait3A_358 = arith.constant 0 : i32
      %dma_wait3A_359 = arith.constant 0 : i32
      %dma_wait3A_360 = tpu.memref_slice %arg2[%dma_wait3A_358, %dma_wait3A_359] : memref<2048x128xi32, #tpu.memory_space<hbm>> -> memref<1x128xi32, #tpu.memory_space<hbm>>
      %dma_wait3A_361 = tpu.memref_squeeze %dma_wait3A_360 : memref<1x128xi32, #tpu.memory_space<hbm>> -> memref<128xi32, #tpu.memory_space<hbm>>
      %dma_wait3A_362 = arith.constant 0 : i32
      %dma_wait3A_363 = tpu.memref_slice %arg2[%dma_wait3A_358, %dma_wait3A_362] : memref<2048x128xi32, #tpu.memory_space<hbm>> -> memref<1x128xi32, #tpu.memory_space<hbm>>
      %dma_wait3A_364 = tpu.memref_squeeze %dma_wait3A_363 : memref<1x128xi32, #tpu.memory_space<hbm>> -> memref<128xi32, #tpu.memory_space<hbm>>
      tpu.wait_dma2 semaphore(%arg8 : memref<!tpu.dma_semaphore, #tpu.memory_space<semaphore_mem>>) src(%dma_wait3A_364 : memref<128xi32, #tpu.memory_space<hbm>>) dst(%arg5 : memref<128xi32, #tpu.memory_space<vmem>>)
      %dma_wait3A_365 = arith.constant 0 : i32
      %dma_wait3A_366 = arith.constant 0 : i32
      %dma_wait3A_367 = tpu.memref_slice %arg2[%dma_wait3A_365, %dma_wait3A_366] : memref<2048x128xi32, #tpu.memory_space<hbm>> -> memref<1x128xi32, #tpu.memory_space<hbm>>
      %dma_wait3A_368 = tpu.memref_squeeze %dma_wait3A_367 : memref<1x128xi32, #tpu.memory_space<hbm>> -> memref<128xi32, #tpu.memory_space<hbm>>
      %dma_wait3A_369 = arith.constant 0 : i32
      %dma_wait3A_370 = tpu.memref_slice %arg2[%dma_wait3A_365, %dma_wait3A_369] : memref<2048x128xi32, #tpu.memory_space<hbm>> -> memref<1x128xi32, #tpu.memory_space<hbm>>
      %dma_wait3A_371 = tpu.memref_squeeze %dma_wait3A_370 : memref<1x128xi32, #tpu.memory_space<hbm>> -> memref<128xi32, #tpu.memory_space<hbm>>
      tpu.wait_dma2 semaphore(%arg8 : memref<!tpu.dma_semaphore, #tpu.memory_space<semaphore_mem>>) src(%dma_wait3A_371 : memref<128xi32, #tpu.memory_space<hbm>>) dst(%arg5 : memref<128xi32, #tpu.memory_space<vmem>>)
      %dma_wait3A_372 = arith.constant 0 : i32
      %dma_wait3A_373 = arith.constant 0 : i32
      %dma_wait3A_374 = tpu.memref_slice %arg2[%dma_wait3A_372, %dma_wait3A_373] : memref<2048x128xi32, #tpu.memory_space<hbm>> -> memref<1x128xi32, #tpu.memory_space<hbm>>
      %dma_wait3A_375 = tpu.memref_squeeze %dma_wait3A_374 : memref<1x128xi32, #tpu.memory_space<hbm>> -> memref<128xi32, #tpu.memory_space<hbm>>
      %dma_wait3A_376 = arith.constant 0 : i32
      %dma_wait3A_377 = tpu.memref_slice %arg2[%dma_wait3A_372, %dma_wait3A_376] : memref<2048x128xi32, #tpu.memory_space<hbm>> -> memref<1x128xi32, #tpu.memory_space<hbm>>
      %dma_wait3A_378 = tpu.memref_squeeze %dma_wait3A_377 : memref<1x128xi32, #tpu.memory_space<hbm>> -> memref<128xi32, #tpu.memory_space<hbm>>
      tpu.wait_dma2 semaphore(%arg8 : memref<!tpu.dma_semaphore, #tpu.memory_space<semaphore_mem>>) src(%dma_wait3A_378 : memref<128xi32, #tpu.memory_space<hbm>>) dst(%arg5 : memref<128xi32, #tpu.memory_space<vmem>>)
      %dma_wait3A_379 = arith.constant 0 : i32
      %dma_wait3A_380 = arith.constant 0 : i32
      %dma_wait3A_381 = tpu.memref_slice %arg2[%dma_wait3A_379, %dma_wait3A_380] : memref<2048x128xi32, #tpu.memory_space<hbm>> -> memref<1x128xi32, #tpu.memory_space<hbm>>
      %dma_wait3A_382 = tpu.memref_squeeze %dma_wait3A_381 : memref<1x128xi32, #tpu.memory_space<hbm>> -> memref<128xi32, #tpu.memory_space<hbm>>
      %dma_wait3A_383 = arith.constant 0 : i32
      %dma_wait3A_384 = tpu.memref_slice %arg2[%dma_wait3A_379, %dma_wait3A_383] : memref<2048x128xi32, #tpu.memory_space<hbm>> -> memref<1x128xi32, #tpu.memory_space<hbm>>
      %dma_wait3A_385 = tpu.memref_squeeze %dma_wait3A_384 : memref<1x128xi32, #tpu.memory_space<hbm>> -> memref<128xi32, #tpu.memory_space<hbm>>
      tpu.wait_dma2 semaphore(%arg8 : memref<!tpu.dma_semaphore, #tpu.memory_space<semaphore_mem>>) src(%dma_wait3A_385 : memref<128xi32, #tpu.memory_space<hbm>>) dst(%arg5 : memref<128xi32, #tpu.memory_space<vmem>>)
      %dma_wait3A_386 = arith.constant 0 : i32
      %dma_wait3A_387 = arith.constant 0 : i32
      %dma_wait3A_388 = tpu.memref_slice %arg2[%dma_wait3A_386, %dma_wait3A_387] : memref<2048x128xi32, #tpu.memory_space<hbm>> -> memref<1x128xi32, #tpu.memory_space<hbm>>
      %dma_wait3A_389 = tpu.memref_squeeze %dma_wait3A_388 : memref<1x128xi32, #tpu.memory_space<hbm>> -> memref<128xi32, #tpu.memory_space<hbm>>
      %dma_wait3A_390 = arith.constant 0 : i32
      %dma_wait3A_391 = tpu.memref_slice %arg2[%dma_wait3A_386, %dma_wait3A_390] : memref<2048x128xi32, #tpu.memory_space<hbm>> -> memref<1x128xi32, #tpu.memory_space<hbm>>
      %dma_wait3A_392 = tpu.memref_squeeze %dma_wait3A_391 : memref<1x128xi32, #tpu.memory_space<hbm>> -> memref<128xi32, #tpu.memory_space<hbm>>
      tpu.wait_dma2 semaphore(%arg8 : memref<!tpu.dma_semaphore, #tpu.memory_space<semaphore_mem>>) src(%dma_wait3A_392 : memref<128xi32, #tpu.memory_space<hbm>>) dst(%arg5 : memref<128xi32, #tpu.memory_space<vmem>>)
      %dma_wait3A_393 = arith.constant 0 : i32
      %dma_wait3A_394 = arith.constant 0 : i32
      %dma_wait3A_395 = tpu.memref_slice %arg2[%dma_wait3A_393, %dma_wait3A_394] : memref<2048x128xi32, #tpu.memory_space<hbm>> -> memref<1x128xi32, #tpu.memory_space<hbm>>
      %dma_wait3A_396 = tpu.memref_squeeze %dma_wait3A_395 : memref<1x128xi32, #tpu.memory_space<hbm>> -> memref<128xi32, #tpu.memory_space<hbm>>
      %dma_wait3A_397 = arith.constant 0 : i32
      %dma_wait3A_398 = tpu.memref_slice %arg2[%dma_wait3A_393, %dma_wait3A_397] : memref<2048x128xi32, #tpu.memory_space<hbm>> -> memref<1x128xi32, #tpu.memory_space<hbm>>
      %dma_wait3A_399 = tpu.memref_squeeze %dma_wait3A_398 : memref<1x128xi32, #tpu.memory_space<hbm>> -> memref<128xi32, #tpu.memory_space<hbm>>
      tpu.wait_dma2 semaphore(%arg8 : memref<!tpu.dma_semaphore, #tpu.memory_space<semaphore_mem>>) src(%dma_wait3A_399 : memref<128xi32, #tpu.memory_space<hbm>>) dst(%arg5 : memref<128xi32, #tpu.memory_space<vmem>>)
      %barrier3A_400 = arith.constant 0 : index
      tpu.barrier barrier_id(%barrier3A_400)
      %add3A_401 = arith.constant 0 : i32
      %add3A_402 = arith.addi %mul3A_2, %add3A_401 : i32
      "tpu.region"() ({
        %run_scoped3A = tpu.sem_alloc : memref<!tpu.dma_semaphore, #tpu.memory_space<semaphore_mem>>
        %dma_start3A_593 = arith.constant 0 : i32
        %dma_start3A_594 = tpu.memref_slice %arg6[%dma_start3A_593] : memref<24416xi32, #tpu.memory_space<vmem>> -> memref<2048xi32, #tpu.memory_space<vmem>>
        %dma_start3A_595 = tpu.memref_slice %arg7[%add3A_402] : memref<390656xi32, #tpu.memory_space<vmem_shared>> -> memref<2048xi32, #tpu.memory_space<vmem_shared>>
        %dma_start3A_596 = arith.constant 0 : i32
        %dma_start3A_597 = tpu.memref_slice %arg6[%dma_start3A_596] : memref<24416xi32, #tpu.memory_space<vmem>> -> memref<2048xi32, #tpu.memory_space<vmem>>
        %dma_start3A_598 = tpu.memref_slice %arg7[%add3A_402] : memref<390656xi32, #tpu.memory_space<vmem_shared>> -> memref<2048xi32, #tpu.memory_space<vmem_shared>>
        tpu.enqueue_dma source(%dma_start3A_598 : memref<2048xi32, #tpu.memory_space<vmem_shared>>) target(%dma_start3A_597 : memref<2048xi32, #tpu.memory_space<vmem>>) target_semaphore(%run_scoped3A : memref<!tpu.dma_semaphore, #tpu.memory_space<semaphore_mem>>)
        %dma_wait3A_599 = arith.constant 0 : i32
        %dma_wait3A_600 = tpu.memref_slice %arg6[%dma_wait3A_599] : memref<24416xi32, #tpu.memory_space<vmem>> -> memref<2048xi32, #tpu.memory_space<vmem>>
        %dma_wait3A_601 = tpu.memref_slice %arg7[%add3A_402] : memref<390656xi32, #tpu.memory_space<vmem_shared>> -> memref<2048xi32, #tpu.memory_space<vmem_shared>>
        %dma_wait3A_602 = arith.constant 0 : i32
        %dma_wait3A_603 = tpu.memref_slice %arg6[%dma_wait3A_602] : memref<24416xi32, #tpu.memory_space<vmem>> -> memref<2048xi32, #tpu.memory_space<vmem>>
        %dma_wait3A_604 = tpu.memref_slice %arg7[%add3A_402] : memref<390656xi32, #tpu.memory_space<vmem_shared>> -> memref<2048xi32, #tpu.memory_space<vmem_shared>>
        tpu.wait_dma2 semaphore(%run_scoped3A : memref<!tpu.dma_semaphore, #tpu.memory_space<semaphore_mem>>) src(%dma_wait3A_604 : memref<2048xi32, #tpu.memory_space<vmem_shared>>) dst(%dma_wait3A_603 : memref<2048xi32, #tpu.memory_space<vmem>>)
        tpu.yield
      }) : () -> ()
      %add3A_403 = arith.constant 0 : i32
      %add3A_404 = arith.addi %mul3A_2, %add3A_403 : i32
      %dma_start3A_405 = arith.constant 0 : i32
      %dma_start3A_406 = tpu.memref_slice %arg6[%dma_start3A_405] : memref<24416xi32, #tpu.memory_space<vmem>> -> memref<2048xi32, #tpu.memory_space<vmem>>
      %dma_start3A_407 = tpu.memref_slice %arg3[%add3A_404] : memref<390656xi32, #tpu.memory_space<hbm>> -> memref<2048xi32, #tpu.memory_space<hbm>>
      %dma_start3A_408 = tpu.memref_slice %arg3[%add3A_404] : memref<390656xi32, #tpu.memory_space<hbm>> -> memref<2048xi32, #tpu.memory_space<hbm>>
      %dma_start3A_409 = arith.constant 0 : i32
      %dma_start3A_410 = tpu.memref_slice %arg6[%dma_start3A_409] : memref<24416xi32, #tpu.memory_space<vmem>> -> memref<2048xi32, #tpu.memory_space<vmem>>
      tpu.enqueue_dma source(%dma_start3A_410 : memref<2048xi32, #tpu.memory_space<vmem>>) target(%dma_start3A_408 : memref<2048xi32, #tpu.memory_space<hbm>>) target_semaphore(%arg8 : memref<!tpu.dma_semaphore, #tpu.memory_space<semaphore_mem>>)
      %add3A_411 = arith.constant 2048 : i32
      %add3A_412 = arith.addi %mul3A_2, %add3A_411 : i32
      "tpu.region"() ({
        %run_scoped3A = tpu.sem_alloc : memref<!tpu.dma_semaphore, #tpu.memory_space<semaphore_mem>>
        %dma_start3A_593 = arith.constant 2048 : i32
        %dma_start3A_594 = tpu.memref_slice %arg6[%dma_start3A_593] : memref<24416xi32, #tpu.memory_space<vmem>> -> memref<2048xi32, #tpu.memory_space<vmem>>
        %dma_start3A_595 = tpu.memref_slice %arg7[%add3A_412] : memref<390656xi32, #tpu.memory_space<vmem_shared>> -> memref<2048xi32, #tpu.memory_space<vmem_shared>>
        %dma_start3A_596 = arith.constant 2048 : i32
        %dma_start3A_597 = tpu.memref_slice %arg6[%dma_start3A_596] : memref<24416xi32, #tpu.memory_space<vmem>> -> memref<2048xi32, #tpu.memory_space<vmem>>
        %dma_start3A_598 = tpu.memref_slice %arg7[%add3A_412] : memref<390656xi32, #tpu.memory_space<vmem_shared>> -> memref<2048xi32, #tpu.memory_space<vmem_shared>>
        tpu.enqueue_dma source(%dma_start3A_598 : memref<2048xi32, #tpu.memory_space<vmem_shared>>) target(%dma_start3A_597 : memref<2048xi32, #tpu.memory_space<vmem>>) target_semaphore(%run_scoped3A : memref<!tpu.dma_semaphore, #tpu.memory_space<semaphore_mem>>)
        %dma_wait3A_599 = arith.constant 2048 : i32
        %dma_wait3A_600 = tpu.memref_slice %arg6[%dma_wait3A_599] : memref<24416xi32, #tpu.memory_space<vmem>> -> memref<2048xi32, #tpu.memory_space<vmem>>
        %dma_wait3A_601 = tpu.memref_slice %arg7[%add3A_412] : memref<390656xi32, #tpu.memory_space<vmem_shared>> -> memref<2048xi32, #tpu.memory_space<vmem_shared>>
        %dma_wait3A_602 = arith.constant 2048 : i32
        %dma_wait3A_603 = tpu.memref_slice %arg6[%dma_wait3A_602] : memref<24416xi32, #tpu.memory_space<vmem>> -> memref<2048xi32, #tpu.memory_space<vmem>>
        %dma_wait3A_604 = tpu.memref_slice %arg7[%add3A_412] : memref<390656xi32, #tpu.memory_space<vmem_shared>> -> memref<2048xi32, #tpu.memory_space<vmem_shared>>
        tpu.wait_dma2 semaphore(%run_scoped3A : memref<!tpu.dma_semaphore, #tpu.memory_space<semaphore_mem>>) src(%dma_wait3A_604 : memref<2048xi32, #tpu.memory_space<vmem_shared>>) dst(%dma_wait3A_603 : memref<2048xi32, #tpu.memory_space<vmem>>)
        tpu.yield
      }) : () -> ()
      %dma_wait3A_413 = arith.constant 0 : i32
      %dma_wait3A_414 = tpu.memref_slice %arg6[%dma_wait3A_413] : memref<24416xi32, #tpu.memory_space<vmem>> -> memref<2048xi32, #tpu.memory_space<vmem>>
      %dma_wait3A_415 = tpu.memref_slice %arg3[%add3A_404] : memref<390656xi32, #tpu.memory_space<hbm>> -> memref<2048xi32, #tpu.memory_space<hbm>>
      %dma_wait3A_416 = tpu.memref_slice %arg3[%add3A_404] : memref<390656xi32, #tpu.memory_space<hbm>> -> memref<2048xi32, #tpu.memory_space<hbm>>
      %dma_wait3A_417 = arith.constant 0 : i32
      %dma_wait3A_418 = tpu.memref_slice %arg6[%dma_wait3A_417] : memref<24416xi32, #tpu.memory_space<vmem>> -> memref<2048xi32, #tpu.memory_space<vmem>>
      tpu.wait_dma2 semaphore(%arg8 : memref<!tpu.dma_semaphore, #tpu.memory_space<semaphore_mem>>) src(%dma_wait3A_418 : memref<2048xi32, #tpu.memory_space<vmem>>) dst(%dma_wait3A_416 : memref<2048xi32, #tpu.memory_space<hbm>>)
      %add3A_419 = arith.constant 2048 : i32
      %add3A_420 = arith.addi %mul3A_2, %add3A_419 : i32
      %dma_start3A_421 = arith.constant 2048 : i32
      %dma_start3A_422 = tpu.memref_slice %arg6[%dma_start3A_421] : memref<24416xi32, #tpu.memory_space<vmem>> -> memref<2048xi32, #tpu.memory_space<vmem>>
      %dma_start3A_423 = tpu.memref_slice %arg3[%add3A_420] : memref<390656xi32, #tpu.memory_space<hbm>> -> memref<2048xi32, #tpu.memory_space<hbm>>
      %dma_start3A_424 = tpu.memref_slice %arg3[%add3A_420] : memref<390656xi32, #tpu.memory_space<hbm>> -> memref<2048xi32, #tpu.memory_space<hbm>>
      %dma_start3A_425 = arith.constant 2048 : i32
      %dma_start3A_426 = tpu.memref_slice %arg6[%dma_start3A_425] : memref<24416xi32, #tpu.memory_space<vmem>> -> memref<2048xi32, #tpu.memory_space<vmem>>
      tpu.enqueue_dma source(%dma_start3A_426 : memref<2048xi32, #tpu.memory_space<vmem>>) target(%dma_start3A_424 : memref<2048xi32, #tpu.memory_space<hbm>>) target_semaphore(%arg8 : memref<!tpu.dma_semaphore, #tpu.memory_space<semaphore_mem>>)
      %add3A_427 = arith.constant 4096 : i32
      %add3A_428 = arith.addi %mul3A_2, %add3A_427 : i32
      "tpu.region"() ({
        %run_scoped3A = tpu.sem_alloc : memref<!tpu.dma_semaphore, #tpu.memory_space<semaphore_mem>>
        %dma_start3A_593 = arith.constant 4096 : i32
        %dma_start3A_594 = tpu.memref_slice %arg6[%dma_start3A_593] : memref<24416xi32, #tpu.memory_space<vmem>> -> memref<2048xi32, #tpu.memory_space<vmem>>
        %dma_start3A_595 = tpu.memref_slice %arg7[%add3A_428] : memref<390656xi32, #tpu.memory_space<vmem_shared>> -> memref<2048xi32, #tpu.memory_space<vmem_shared>>
        %dma_start3A_596 = arith.constant 4096 : i32
        %dma_start3A_597 = tpu.memref_slice %arg6[%dma_start3A_596] : memref<24416xi32, #tpu.memory_space<vmem>> -> memref<2048xi32, #tpu.memory_space<vmem>>
        %dma_start3A_598 = tpu.memref_slice %arg7[%add3A_428] : memref<390656xi32, #tpu.memory_space<vmem_shared>> -> memref<2048xi32, #tpu.memory_space<vmem_shared>>
        tpu.enqueue_dma source(%dma_start3A_598 : memref<2048xi32, #tpu.memory_space<vmem_shared>>) target(%dma_start3A_597 : memref<2048xi32, #tpu.memory_space<vmem>>) target_semaphore(%run_scoped3A : memref<!tpu.dma_semaphore, #tpu.memory_space<semaphore_mem>>)
        %dma_wait3A_599 = arith.constant 4096 : i32
        %dma_wait3A_600 = tpu.memref_slice %arg6[%dma_wait3A_599] : memref<24416xi32, #tpu.memory_space<vmem>> -> memref<2048xi32, #tpu.memory_space<vmem>>
        %dma_wait3A_601 = tpu.memref_slice %arg7[%add3A_428] : memref<390656xi32, #tpu.memory_space<vmem_shared>> -> memref<2048xi32, #tpu.memory_space<vmem_shared>>
        %dma_wait3A_602 = arith.constant 4096 : i32
        %dma_wait3A_603 = tpu.memref_slice %arg6[%dma_wait3A_602] : memref<24416xi32, #tpu.memory_space<vmem>> -> memref<2048xi32, #tpu.memory_space<vmem>>
        %dma_wait3A_604 = tpu.memref_slice %arg7[%add3A_428] : memref<390656xi32, #tpu.memory_space<vmem_shared>> -> memref<2048xi32, #tpu.memory_space<vmem_shared>>
        tpu.wait_dma2 semaphore(%run_scoped3A : memref<!tpu.dma_semaphore, #tpu.memory_space<semaphore_mem>>) src(%dma_wait3A_604 : memref<2048xi32, #tpu.memory_space<vmem_shared>>) dst(%dma_wait3A_603 : memref<2048xi32, #tpu.memory_space<vmem>>)
        tpu.yield
      }) : () -> ()
      %dma_wait3A_429 = arith.constant 2048 : i32
      %dma_wait3A_430 = tpu.memref_slice %arg6[%dma_wait3A_429] : memref<24416xi32, #tpu.memory_space<vmem>> -> memref<2048xi32, #tpu.memory_space<vmem>>
      %dma_wait3A_431 = tpu.memref_slice %arg3[%add3A_420] : memref<390656xi32, #tpu.memory_space<hbm>> -> memref<2048xi32, #tpu.memory_space<hbm>>
      %dma_wait3A_432 = tpu.memref_slice %arg3[%add3A_420] : memref<390656xi32, #tpu.memory_space<hbm>> -> memref<2048xi32, #tpu.memory_space<hbm>>
      %dma_wait3A_433 = arith.constant 2048 : i32
      %dma_wait3A_434 = tpu.memref_slice %arg6[%dma_wait3A_433] : memref<24416xi32, #tpu.memory_space<vmem>> -> memref<2048xi32, #tpu.memory_space<vmem>>
      tpu.wait_dma2 semaphore(%arg8 : memref<!tpu.dma_semaphore, #tpu.memory_space<semaphore_mem>>) src(%dma_wait3A_434 : memref<2048xi32, #tpu.memory_space<vmem>>) dst(%dma_wait3A_432 : memref<2048xi32, #tpu.memory_space<hbm>>)
      %add3A_435 = arith.constant 4096 : i32
      %add3A_436 = arith.addi %mul3A_2, %add3A_435 : i32
      %dma_start3A_437 = arith.constant 4096 : i32
      %dma_start3A_438 = tpu.memref_slice %arg6[%dma_start3A_437] : memref<24416xi32, #tpu.memory_space<vmem>> -> memref<2048xi32, #tpu.memory_space<vmem>>
      %dma_start3A_439 = tpu.memref_slice %arg3[%add3A_436] : memref<390656xi32, #tpu.memory_space<hbm>> -> memref<2048xi32, #tpu.memory_space<hbm>>
      %dma_start3A_440 = tpu.memref_slice %arg3[%add3A_436] : memref<390656xi32, #tpu.memory_space<hbm>> -> memref<2048xi32, #tpu.memory_space<hbm>>
      %dma_start3A_441 = arith.constant 4096 : i32
      %dma_start3A_442 = tpu.memref_slice %arg6[%dma_start3A_441] : memref<24416xi32, #tpu.memory_space<vmem>> -> memref<2048xi32, #tpu.memory_space<vmem>>
      tpu.enqueue_dma source(%dma_start3A_442 : memref<2048xi32, #tpu.memory_space<vmem>>) target(%dma_start3A_440 : memref<2048xi32, #tpu.memory_space<hbm>>) target_semaphore(%arg8 : memref<!tpu.dma_semaphore, #tpu.memory_space<semaphore_mem>>)
      %add3A_443 = arith.constant 6144 : i32
      %add3A_444 = arith.addi %mul3A_2, %add3A_443 : i32
      "tpu.region"() ({
        %run_scoped3A = tpu.sem_alloc : memref<!tpu.dma_semaphore, #tpu.memory_space<semaphore_mem>>
        %dma_start3A_593 = arith.constant 6144 : i32
        %dma_start3A_594 = tpu.memref_slice %arg6[%dma_start3A_593] : memref<24416xi32, #tpu.memory_space<vmem>> -> memref<2048xi32, #tpu.memory_space<vmem>>
        %dma_start3A_595 = tpu.memref_slice %arg7[%add3A_444] : memref<390656xi32, #tpu.memory_space<vmem_shared>> -> memref<2048xi32, #tpu.memory_space<vmem_shared>>
        %dma_start3A_596 = arith.constant 6144 : i32
        %dma_start3A_597 = tpu.memref_slice %arg6[%dma_start3A_596] : memref<24416xi32, #tpu.memory_space<vmem>> -> memref<2048xi32, #tpu.memory_space<vmem>>
        %dma_start3A_598 = tpu.memref_slice %arg7[%add3A_444] : memref<390656xi32, #tpu.memory_space<vmem_shared>> -> memref<2048xi32, #tpu.memory_space<vmem_shared>>
        tpu.enqueue_dma source(%dma_start3A_598 : memref<2048xi32, #tpu.memory_space<vmem_shared>>) target(%dma_start3A_597 : memref<2048xi32, #tpu.memory_space<vmem>>) target_semaphore(%run_scoped3A : memref<!tpu.dma_semaphore, #tpu.memory_space<semaphore_mem>>)
        %dma_wait3A_599 = arith.constant 6144 : i32
        %dma_wait3A_600 = tpu.memref_slice %arg6[%dma_wait3A_599] : memref<24416xi32, #tpu.memory_space<vmem>> -> memref<2048xi32, #tpu.memory_space<vmem>>
        %dma_wait3A_601 = tpu.memref_slice %arg7[%add3A_444] : memref<390656xi32, #tpu.memory_space<vmem_shared>> -> memref<2048xi32, #tpu.memory_space<vmem_shared>>
        %dma_wait3A_602 = arith.constant 6144 : i32
        %dma_wait3A_603 = tpu.memref_slice %arg6[%dma_wait3A_602] : memref<24416xi32, #tpu.memory_space<vmem>> -> memref<2048xi32, #tpu.memory_space<vmem>>
        %dma_wait3A_604 = tpu.memref_slice %arg7[%add3A_444] : memref<390656xi32, #tpu.memory_space<vmem_shared>> -> memref<2048xi32, #tpu.memory_space<vmem_shared>>
        tpu.wait_dma2 semaphore(%run_scoped3A : memref<!tpu.dma_semaphore, #tpu.memory_space<semaphore_mem>>) src(%dma_wait3A_604 : memref<2048xi32, #tpu.memory_space<vmem_shared>>) dst(%dma_wait3A_603 : memref<2048xi32, #tpu.memory_space<vmem>>)
        tpu.yield
      }) : () -> ()
      %dma_wait3A_445 = arith.constant 4096 : i32
      %dma_wait3A_446 = tpu.memref_slice %arg6[%dma_wait3A_445] : memref<24416xi32, #tpu.memory_space<vmem>> -> memref<2048xi32, #tpu.memory_space<vmem>>
      %dma_wait3A_447 = tpu.memref_slice %arg3[%add3A_436] : memref<390656xi32, #tpu.memory_space<hbm>> -> memref<2048xi32, #tpu.memory_space<hbm>>
      %dma_wait3A_448 = tpu.memref_slice %arg3[%add3A_436] : memref<390656xi32, #tpu.memory_space<hbm>> -> memref<2048xi32, #tpu.memory_space<hbm>>
      %dma_wait3A_449 = arith.constant 4096 : i32
      %dma_wait3A_450 = tpu.memref_slice %arg6[%dma_wait3A_449] : memref<24416xi32, #tpu.memory_space<vmem>> -> memref<2048xi32, #tpu.memory_space<vmem>>
      tpu.wait_dma2 semaphore(%arg8 : memref<!tpu.dma_semaphore, #tpu.memory_space<semaphore_mem>>) src(%dma_wait3A_450 : memref<2048xi32, #tpu.memory_space<vmem>>) dst(%dma_wait3A_448 : memref<2048xi32, #tpu.memory_space<hbm>>)
      %add3A_451 = arith.constant 6144 : i32
      %add3A_452 = arith.addi %mul3A_2, %add3A_451 : i32
      %dma_start3A_453 = arith.constant 6144 : i32
      %dma_start3A_454 = tpu.memref_slice %arg6[%dma_start3A_453] : memref<24416xi32, #tpu.memory_space<vmem>> -> memref<2048xi32, #tpu.memory_space<vmem>>
      %dma_start3A_455 = tpu.memref_slice %arg3[%add3A_452] : memref<390656xi32, #tpu.memory_space<hbm>> -> memref<2048xi32, #tpu.memory_space<hbm>>
      %dma_start3A_456 = tpu.memref_slice %arg3[%add3A_452] : memref<390656xi32, #tpu.memory_space<hbm>> -> memref<2048xi32, #tpu.memory_space<hbm>>
      %dma_start3A_457 = arith.constant 6144 : i32
      %dma_start3A_458 = tpu.memref_slice %arg6[%dma_start3A_457] : memref<24416xi32, #tpu.memory_space<vmem>> -> memref<2048xi32, #tpu.memory_space<vmem>>
      tpu.enqueue_dma source(%dma_start3A_458 : memref<2048xi32, #tpu.memory_space<vmem>>) target(%dma_start3A_456 : memref<2048xi32, #tpu.memory_space<hbm>>) target_semaphore(%arg8 : memref<!tpu.dma_semaphore, #tpu.memory_space<semaphore_mem>>)
      %add3A_459 = arith.constant 8192 : i32
      %add3A_460 = arith.addi %mul3A_2, %add3A_459 : i32
      "tpu.region"() ({
        %run_scoped3A = tpu.sem_alloc : memref<!tpu.dma_semaphore, #tpu.memory_space<semaphore_mem>>
        %dma_start3A_593 = arith.constant 8192 : i32
        %dma_start3A_594 = tpu.memref_slice %arg6[%dma_start3A_593] : memref<24416xi32, #tpu.memory_space<vmem>> -> memref<2048xi32, #tpu.memory_space<vmem>>
        %dma_start3A_595 = tpu.memref_slice %arg7[%add3A_460] : memref<390656xi32, #tpu.memory_space<vmem_shared>> -> memref<2048xi32, #tpu.memory_space<vmem_shared>>
        %dma_start3A_596 = arith.constant 8192 : i32
        %dma_start3A_597 = tpu.memref_slice %arg6[%dma_start3A_596] : memref<24416xi32, #tpu.memory_space<vmem>> -> memref<2048xi32, #tpu.memory_space<vmem>>
        %dma_start3A_598 = tpu.memref_slice %arg7[%add3A_460] : memref<390656xi32, #tpu.memory_space<vmem_shared>> -> memref<2048xi32, #tpu.memory_space<vmem_shared>>
        tpu.enqueue_dma source(%dma_start3A_598 : memref<2048xi32, #tpu.memory_space<vmem_shared>>) target(%dma_start3A_597 : memref<2048xi32, #tpu.memory_space<vmem>>) target_semaphore(%run_scoped3A : memref<!tpu.dma_semaphore, #tpu.memory_space<semaphore_mem>>)
        %dma_wait3A_599 = arith.constant 8192 : i32
        %dma_wait3A_600 = tpu.memref_slice %arg6[%dma_wait3A_599] : memref<24416xi32, #tpu.memory_space<vmem>> -> memref<2048xi32, #tpu.memory_space<vmem>>
        %dma_wait3A_601 = tpu.memref_slice %arg7[%add3A_460] : memref<390656xi32, #tpu.memory_space<vmem_shared>> -> memref<2048xi32, #tpu.memory_space<vmem_shared>>
        %dma_wait3A_602 = arith.constant 8192 : i32
        %dma_wait3A_603 = tpu.memref_slice %arg6[%dma_wait3A_602] : memref<24416xi32, #tpu.memory_space<vmem>> -> memref<2048xi32, #tpu.memory_space<vmem>>
        %dma_wait3A_604 = tpu.memref_slice %arg7[%add3A_460] : memref<390656xi32, #tpu.memory_space<vmem_shared>> -> memref<2048xi32, #tpu.memory_space<vmem_shared>>
        tpu.wait_dma2 semaphore(%run_scoped3A : memref<!tpu.dma_semaphore, #tpu.memory_space<semaphore_mem>>) src(%dma_wait3A_604 : memref<2048xi32, #tpu.memory_space<vmem_shared>>) dst(%dma_wait3A_603 : memref<2048xi32, #tpu.memory_space<vmem>>)
        tpu.yield
      }) : () -> ()
      %dma_wait3A_461 = arith.constant 6144 : i32
      %dma_wait3A_462 = tpu.memref_slice %arg6[%dma_wait3A_461] : memref<24416xi32, #tpu.memory_space<vmem>> -> memref<2048xi32, #tpu.memory_space<vmem>>
      %dma_wait3A_463 = tpu.memref_slice %arg3[%add3A_452] : memref<390656xi32, #tpu.memory_space<hbm>> -> memref<2048xi32, #tpu.memory_space<hbm>>
      %dma_wait3A_464 = tpu.memref_slice %arg3[%add3A_452] : memref<390656xi32, #tpu.memory_space<hbm>> -> memref<2048xi32, #tpu.memory_space<hbm>>
      %dma_wait3A_465 = arith.constant 6144 : i32
      %dma_wait3A_466 = tpu.memref_slice %arg6[%dma_wait3A_465] : memref<24416xi32, #tpu.memory_space<vmem>> -> memref<2048xi32, #tpu.memory_space<vmem>>
      tpu.wait_dma2 semaphore(%arg8 : memref<!tpu.dma_semaphore, #tpu.memory_space<semaphore_mem>>) src(%dma_wait3A_466 : memref<2048xi32, #tpu.memory_space<vmem>>) dst(%dma_wait3A_464 : memref<2048xi32, #tpu.memory_space<hbm>>)
      %add3A_467 = arith.constant 8192 : i32
      %add3A_468 = arith.addi %mul3A_2, %add3A_467 : i32
      %dma_start3A_469 = arith.constant 8192 : i32
      %dma_start3A_470 = tpu.memref_slice %arg6[%dma_start3A_469] : memref<24416xi32, #tpu.memory_space<vmem>> -> memref<2048xi32, #tpu.memory_space<vmem>>
      %dma_start3A_471 = tpu.memref_slice %arg3[%add3A_468] : memref<390656xi32, #tpu.memory_space<hbm>> -> memref<2048xi32, #tpu.memory_space<hbm>>
      %dma_start3A_472 = tpu.memref_slice %arg3[%add3A_468] : memref<390656xi32, #tpu.memory_space<hbm>> -> memref<2048xi32, #tpu.memory_space<hbm>>
      %dma_start3A_473 = arith.constant 8192 : i32
      %dma_start3A_474 = tpu.memref_slice %arg6[%dma_start3A_473] : memref<24416xi32, #tpu.memory_space<vmem>> -> memref<2048xi32, #tpu.memory_space<vmem>>
      tpu.enqueue_dma source(%dma_start3A_474 : memref<2048xi32, #tpu.memory_space<vmem>>) target(%dma_start3A_472 : memref<2048xi32, #tpu.memory_space<hbm>>) target_semaphore(%arg8 : memref<!tpu.dma_semaphore, #tpu.memory_space<semaphore_mem>>)
      %add3A_475 = arith.constant 10240 : i32
      %add3A_476 = arith.addi %mul3A_2, %add3A_475 : i32
      "tpu.region"() ({
        %run_scoped3A = tpu.sem_alloc : memref<!tpu.dma_semaphore, #tpu.memory_space<semaphore_mem>>
        %dma_start3A_593 = arith.constant 10240 : i32
        %dma_start3A_594 = tpu.memref_slice %arg6[%dma_start3A_593] : memref<24416xi32, #tpu.memory_space<vmem>> -> memref<2048xi32, #tpu.memory_space<vmem>>
        %dma_start3A_595 = tpu.memref_slice %arg7[%add3A_476] : memref<390656xi32, #tpu.memory_space<vmem_shared>> -> memref<2048xi32, #tpu.memory_space<vmem_shared>>
        %dma_start3A_596 = arith.constant 10240 : i32
        %dma_start3A_597 = tpu.memref_slice %arg6[%dma_start3A_596] : memref<24416xi32, #tpu.memory_space<vmem>> -> memref<2048xi32, #tpu.memory_space<vmem>>
        %dma_start3A_598 = tpu.memref_slice %arg7[%add3A_476] : memref<390656xi32, #tpu.memory_space<vmem_shared>> -> memref<2048xi32, #tpu.memory_space<vmem_shared>>
        tpu.enqueue_dma source(%dma_start3A_598 : memref<2048xi32, #tpu.memory_space<vmem_shared>>) target(%dma_start3A_597 : memref<2048xi32, #tpu.memory_space<vmem>>) target_semaphore(%run_scoped3A : memref<!tpu.dma_semaphore, #tpu.memory_space<semaphore_mem>>)
        %dma_wait3A_599 = arith.constant 10240 : i32
        %dma_wait3A_600 = tpu.memref_slice %arg6[%dma_wait3A_599] : memref<24416xi32, #tpu.memory_space<vmem>> -> memref<2048xi32, #tpu.memory_space<vmem>>
        %dma_wait3A_601 = tpu.memref_slice %arg7[%add3A_476] : memref<390656xi32, #tpu.memory_space<vmem_shared>> -> memref<2048xi32, #tpu.memory_space<vmem_shared>>
        %dma_wait3A_602 = arith.constant 10240 : i32
        %dma_wait3A_603 = tpu.memref_slice %arg6[%dma_wait3A_602] : memref<24416xi32, #tpu.memory_space<vmem>> -> memref<2048xi32, #tpu.memory_space<vmem>>
        %dma_wait3A_604 = tpu.memref_slice %arg7[%add3A_476] : memref<390656xi32, #tpu.memory_space<vmem_shared>> -> memref<2048xi32, #tpu.memory_space<vmem_shared>>
        tpu.wait_dma2 semaphore(%run_scoped3A : memref<!tpu.dma_semaphore, #tpu.memory_space<semaphore_mem>>) src(%dma_wait3A_604 : memref<2048xi32, #tpu.memory_space<vmem_shared>>) dst(%dma_wait3A_603 : memref<2048xi32, #tpu.memory_space<vmem>>)
        tpu.yield
      }) : () -> ()
      %dma_wait3A_477 = arith.constant 8192 : i32
      %dma_wait3A_478 = tpu.memref_slice %arg6[%dma_wait3A_477] : memref<24416xi32, #tpu.memory_space<vmem>> -> memref<2048xi32, #tpu.memory_space<vmem>>
      %dma_wait3A_479 = tpu.memref_slice %arg3[%add3A_468] : memref<390656xi32, #tpu.memory_space<hbm>> -> memref<2048xi32, #tpu.memory_space<hbm>>
      %dma_wait3A_480 = tpu.memref_slice %arg3[%add3A_468] : memref<390656xi32, #tpu.memory_space<hbm>> -> memref<2048xi32, #tpu.memory_space<hbm>>
      %dma_wait3A_481 = arith.constant 8192 : i32
      %dma_wait3A_482 = tpu.memref_slice %arg6[%dma_wait3A_481] : memref<24416xi32, #tpu.memory_space<vmem>> -> memref<2048xi32, #tpu.memory_space<vmem>>
      tpu.wait_dma2 semaphore(%arg8 : memref<!tpu.dma_semaphore, #tpu.memory_space<semaphore_mem>>) src(%dma_wait3A_482 : memref<2048xi32, #tpu.memory_space<vmem>>) dst(%dma_wait3A_480 : memref<2048xi32, #tpu.memory_space<hbm>>)
      %add3A_483 = arith.constant 10240 : i32
      %add3A_484 = arith.addi %mul3A_2, %add3A_483 : i32
      %dma_start3A_485 = arith.constant 10240 : i32
      %dma_start3A_486 = tpu.memref_slice %arg6[%dma_start3A_485] : memref<24416xi32, #tpu.memory_space<vmem>> -> memref<2048xi32, #tpu.memory_space<vmem>>
      %dma_start3A_487 = tpu.memref_slice %arg3[%add3A_484] : memref<390656xi32, #tpu.memory_space<hbm>> -> memref<2048xi32, #tpu.memory_space<hbm>>
      %dma_start3A_488 = tpu.memref_slice %arg3[%add3A_484] : memref<390656xi32, #tpu.memory_space<hbm>> -> memref<2048xi32, #tpu.memory_space<hbm>>
      %dma_start3A_489 = arith.constant 10240 : i32
      %dma_start3A_490 = tpu.memref_slice %arg6[%dma_start3A_489] : memref<24416xi32, #tpu.memory_space<vmem>> -> memref<2048xi32, #tpu.memory_space<vmem>>
      tpu.enqueue_dma source(%dma_start3A_490 : memref<2048xi32, #tpu.memory_space<vmem>>) target(%dma_start3A_488 : memref<2048xi32, #tpu.memory_space<hbm>>) target_semaphore(%arg8 : memref<!tpu.dma_semaphore, #tpu.memory_space<semaphore_mem>>)
      %add3A_491 = arith.constant 12288 : i32
      %add3A_492 = arith.addi %mul3A_2, %add3A_491 : i32
      "tpu.region"() ({
        %run_scoped3A = tpu.sem_alloc : memref<!tpu.dma_semaphore, #tpu.memory_space<semaphore_mem>>
        %dma_start3A_593 = arith.constant 12288 : i32
        %dma_start3A_594 = tpu.memref_slice %arg6[%dma_start3A_593] : memref<24416xi32, #tpu.memory_space<vmem>> -> memref<2048xi32, #tpu.memory_space<vmem>>
        %dma_start3A_595 = tpu.memref_slice %arg7[%add3A_492] : memref<390656xi32, #tpu.memory_space<vmem_shared>> -> memref<2048xi32, #tpu.memory_space<vmem_shared>>
        %dma_start3A_596 = arith.constant 12288 : i32
        %dma_start3A_597 = tpu.memref_slice %arg6[%dma_start3A_596] : memref<24416xi32, #tpu.memory_space<vmem>> -> memref<2048xi32, #tpu.memory_space<vmem>>
        %dma_start3A_598 = tpu.memref_slice %arg7[%add3A_492] : memref<390656xi32, #tpu.memory_space<vmem_shared>> -> memref<2048xi32, #tpu.memory_space<vmem_shared>>
        tpu.enqueue_dma source(%dma_start3A_598 : memref<2048xi32, #tpu.memory_space<vmem_shared>>) target(%dma_start3A_597 : memref<2048xi32, #tpu.memory_space<vmem>>) target_semaphore(%run_scoped3A : memref<!tpu.dma_semaphore, #tpu.memory_space<semaphore_mem>>)
        %dma_wait3A_599 = arith.constant 12288 : i32
        %dma_wait3A_600 = tpu.memref_slice %arg6[%dma_wait3A_599] : memref<24416xi32, #tpu.memory_space<vmem>> -> memref<2048xi32, #tpu.memory_space<vmem>>
        %dma_wait3A_601 = tpu.memref_slice %arg7[%add3A_492] : memref<390656xi32, #tpu.memory_space<vmem_shared>> -> memref<2048xi32, #tpu.memory_space<vmem_shared>>
        %dma_wait3A_602 = arith.constant 12288 : i32
        %dma_wait3A_603 = tpu.memref_slice %arg6[%dma_wait3A_602] : memref<24416xi32, #tpu.memory_space<vmem>> -> memref<2048xi32, #tpu.memory_space<vmem>>
        %dma_wait3A_604 = tpu.memref_slice %arg7[%add3A_492] : memref<390656xi32, #tpu.memory_space<vmem_shared>> -> memref<2048xi32, #tpu.memory_space<vmem_shared>>
        tpu.wait_dma2 semaphore(%run_scoped3A : memref<!tpu.dma_semaphore, #tpu.memory_space<semaphore_mem>>) src(%dma_wait3A_604 : memref<2048xi32, #tpu.memory_space<vmem_shared>>) dst(%dma_wait3A_603 : memref<2048xi32, #tpu.memory_space<vmem>>)
        tpu.yield
      }) : () -> ()
      %dma_wait3A_493 = arith.constant 10240 : i32
      %dma_wait3A_494 = tpu.memref_slice %arg6[%dma_wait3A_493] : memref<24416xi32, #tpu.memory_space<vmem>> -> memref<2048xi32, #tpu.memory_space<vmem>>
      %dma_wait3A_495 = tpu.memref_slice %arg3[%add3A_484] : memref<390656xi32, #tpu.memory_space<hbm>> -> memref<2048xi32, #tpu.memory_space<hbm>>
      %dma_wait3A_496 = tpu.memref_slice %arg3[%add3A_484] : memref<390656xi32, #tpu.memory_space<hbm>> -> memref<2048xi32, #tpu.memory_space<hbm>>
      %dma_wait3A_497 = arith.constant 10240 : i32
      %dma_wait3A_498 = tpu.memref_slice %arg6[%dma_wait3A_497] : memref<24416xi32, #tpu.memory_space<vmem>> -> memref<2048xi32, #tpu.memory_space<vmem>>
      tpu.wait_dma2 semaphore(%arg8 : memref<!tpu.dma_semaphore, #tpu.memory_space<semaphore_mem>>) src(%dma_wait3A_498 : memref<2048xi32, #tpu.memory_space<vmem>>) dst(%dma_wait3A_496 : memref<2048xi32, #tpu.memory_space<hbm>>)
      %add3A_499 = arith.constant 12288 : i32
      %add3A_500 = arith.addi %mul3A_2, %add3A_499 : i32
      %dma_start3A_501 = arith.constant 12288 : i32
      %dma_start3A_502 = tpu.memref_slice %arg6[%dma_start3A_501] : memref<24416xi32, #tpu.memory_space<vmem>> -> memref<2048xi32, #tpu.memory_space<vmem>>
      %dma_start3A_503 = tpu.memref_slice %arg3[%add3A_500] : memref<390656xi32, #tpu.memory_space<hbm>> -> memref<2048xi32, #tpu.memory_space<hbm>>
      %dma_start3A_504 = tpu.memref_slice %arg3[%add3A_500] : memref<390656xi32, #tpu.memory_space<hbm>> -> memref<2048xi32, #tpu.memory_space<hbm>>
      %dma_start3A_505 = arith.constant 12288 : i32
      %dma_start3A_506 = tpu.memref_slice %arg6[%dma_start3A_505] : memref<24416xi32, #tpu.memory_space<vmem>> -> memref<2048xi32, #tpu.memory_space<vmem>>
      tpu.enqueue_dma source(%dma_start3A_506 : memref<2048xi32, #tpu.memory_space<vmem>>) target(%dma_start3A_504 : memref<2048xi32, #tpu.memory_space<hbm>>) target_semaphore(%arg8 : memref<!tpu.dma_semaphore, #tpu.memory_space<semaphore_mem>>)
      %add3A_507 = arith.constant 14336 : i32
      %add3A_508 = arith.addi %mul3A_2, %add3A_507 : i32
      "tpu.region"() ({
        %run_scoped3A = tpu.sem_alloc : memref<!tpu.dma_semaphore, #tpu.memory_space<semaphore_mem>>
        %dma_start3A_593 = arith.constant 14336 : i32
        %dma_start3A_594 = tpu.memref_slice %arg6[%dma_start3A_593] : memref<24416xi32, #tpu.memory_space<vmem>> -> memref<2048xi32, #tpu.memory_space<vmem>>
        %dma_start3A_595 = tpu.memref_slice %arg7[%add3A_508] : memref<390656xi32, #tpu.memory_space<vmem_shared>> -> memref<2048xi32, #tpu.memory_space<vmem_shared>>
        %dma_start3A_596 = arith.constant 14336 : i32
        %dma_start3A_597 = tpu.memref_slice %arg6[%dma_start3A_596] : memref<24416xi32, #tpu.memory_space<vmem>> -> memref<2048xi32, #tpu.memory_space<vmem>>
        %dma_start3A_598 = tpu.memref_slice %arg7[%add3A_508] : memref<390656xi32, #tpu.memory_space<vmem_shared>> -> memref<2048xi32, #tpu.memory_space<vmem_shared>>
        tpu.enqueue_dma source(%dma_start3A_598 : memref<2048xi32, #tpu.memory_space<vmem_shared>>) target(%dma_start3A_597 : memref<2048xi32, #tpu.memory_space<vmem>>) target_semaphore(%run_scoped3A : memref<!tpu.dma_semaphore, #tpu.memory_space<semaphore_mem>>)
        %dma_wait3A_599 = arith.constant 14336 : i32
        %dma_wait3A_600 = tpu.memref_slice %arg6[%dma_wait3A_599] : memref<24416xi32, #tpu.memory_space<vmem>> -> memref<2048xi32, #tpu.memory_space<vmem>>
        %dma_wait3A_601 = tpu.memref_slice %arg7[%add3A_508] : memref<390656xi32, #tpu.memory_space<vmem_shared>> -> memref<2048xi32, #tpu.memory_space<vmem_shared>>
        %dma_wait3A_602 = arith.constant 14336 : i32
        %dma_wait3A_603 = tpu.memref_slice %arg6[%dma_wait3A_602] : memref<24416xi32, #tpu.memory_space<vmem>> -> memref<2048xi32, #tpu.memory_space<vmem>>
        %dma_wait3A_604 = tpu.memref_slice %arg7[%add3A_508] : memref<390656xi32, #tpu.memory_space<vmem_shared>> -> memref<2048xi32, #tpu.memory_space<vmem_shared>>
        tpu.wait_dma2 semaphore(%run_scoped3A : memref<!tpu.dma_semaphore, #tpu.memory_space<semaphore_mem>>) src(%dma_wait3A_604 : memref<2048xi32, #tpu.memory_space<vmem_shared>>) dst(%dma_wait3A_603 : memref<2048xi32, #tpu.memory_space<vmem>>)
        tpu.yield
      }) : () -> ()
      %dma_wait3A_509 = arith.constant 12288 : i32
      %dma_wait3A_510 = tpu.memref_slice %arg6[%dma_wait3A_509] : memref<24416xi32, #tpu.memory_space<vmem>> -> memref<2048xi32, #tpu.memory_space<vmem>>
      %dma_wait3A_511 = tpu.memref_slice %arg3[%add3A_500] : memref<390656xi32, #tpu.memory_space<hbm>> -> memref<2048xi32, #tpu.memory_space<hbm>>
      %dma_wait3A_512 = tpu.memref_slice %arg3[%add3A_500] : memref<390656xi32, #tpu.memory_space<hbm>> -> memref<2048xi32, #tpu.memory_space<hbm>>
      %dma_wait3A_513 = arith.constant 12288 : i32
      %dma_wait3A_514 = tpu.memref_slice %arg6[%dma_wait3A_513] : memref<24416xi32, #tpu.memory_space<vmem>> -> memref<2048xi32, #tpu.memory_space<vmem>>
      tpu.wait_dma2 semaphore(%arg8 : memref<!tpu.dma_semaphore, #tpu.memory_space<semaphore_mem>>) src(%dma_wait3A_514 : memref<2048xi32, #tpu.memory_space<vmem>>) dst(%dma_wait3A_512 : memref<2048xi32, #tpu.memory_space<hbm>>)
      %add3A_515 = arith.constant 14336 : i32
      %add3A_516 = arith.addi %mul3A_2, %add3A_515 : i32
      %dma_start3A_517 = arith.constant 14336 : i32
      %dma_start3A_518 = tpu.memref_slice %arg6[%dma_start3A_517] : memref<24416xi32, #tpu.memory_space<vmem>> -> memref<2048xi32, #tpu.memory_space<vmem>>
      %dma_start3A_519 = tpu.memref_slice %arg3[%add3A_516] : memref<390656xi32, #tpu.memory_space<hbm>> -> memref<2048xi32, #tpu.memory_space<hbm>>
      %dma_start3A_520 = tpu.memref_slice %arg3[%add3A_516] : memref<390656xi32, #tpu.memory_space<hbm>> -> memref<2048xi32, #tpu.memory_space<hbm>>
      %dma_start3A_521 = arith.constant 14336 : i32
      %dma_start3A_522 = tpu.memref_slice %arg6[%dma_start3A_521] : memref<24416xi32, #tpu.memory_space<vmem>> -> memref<2048xi32, #tpu.memory_space<vmem>>
      tpu.enqueue_dma source(%dma_start3A_522 : memref<2048xi32, #tpu.memory_space<vmem>>) target(%dma_start3A_520 : memref<2048xi32, #tpu.memory_space<hbm>>) target_semaphore(%arg8 : memref<!tpu.dma_semaphore, #tpu.memory_space<semaphore_mem>>)
      %add3A_523 = arith.constant 16384 : i32
      %add3A_524 = arith.addi %mul3A_2, %add3A_523 : i32
      "tpu.region"() ({
        %run_scoped3A = tpu.sem_alloc : memref<!tpu.dma_semaphore, #tpu.memory_space<semaphore_mem>>
        %dma_start3A_593 = arith.constant 16384 : i32
        %dma_start3A_594 = tpu.memref_slice %arg6[%dma_start3A_593] : memref<24416xi32, #tpu.memory_space<vmem>> -> memref<2048xi32, #tpu.memory_space<vmem>>
        %dma_start3A_595 = tpu.memref_slice %arg7[%add3A_524] : memref<390656xi32, #tpu.memory_space<vmem_shared>> -> memref<2048xi32, #tpu.memory_space<vmem_shared>>
        %dma_start3A_596 = arith.constant 16384 : i32
        %dma_start3A_597 = tpu.memref_slice %arg6[%dma_start3A_596] : memref<24416xi32, #tpu.memory_space<vmem>> -> memref<2048xi32, #tpu.memory_space<vmem>>
        %dma_start3A_598 = tpu.memref_slice %arg7[%add3A_524] : memref<390656xi32, #tpu.memory_space<vmem_shared>> -> memref<2048xi32, #tpu.memory_space<vmem_shared>>
        tpu.enqueue_dma source(%dma_start3A_598 : memref<2048xi32, #tpu.memory_space<vmem_shared>>) target(%dma_start3A_597 : memref<2048xi32, #tpu.memory_space<vmem>>) target_semaphore(%run_scoped3A : memref<!tpu.dma_semaphore, #tpu.memory_space<semaphore_mem>>)
        %dma_wait3A_599 = arith.constant 16384 : i32
        %dma_wait3A_600 = tpu.memref_slice %arg6[%dma_wait3A_599] : memref<24416xi32, #tpu.memory_space<vmem>> -> memref<2048xi32, #tpu.memory_space<vmem>>
        %dma_wait3A_601 = tpu.memref_slice %arg7[%add3A_524] : memref<390656xi32, #tpu.memory_space<vmem_shared>> -> memref<2048xi32, #tpu.memory_space<vmem_shared>>
        %dma_wait3A_602 = arith.constant 16384 : i32
        %dma_wait3A_603 = tpu.memref_slice %arg6[%dma_wait3A_602] : memref<24416xi32, #tpu.memory_space<vmem>> -> memref<2048xi32, #tpu.memory_space<vmem>>
        %dma_wait3A_604 = tpu.memref_slice %arg7[%add3A_524] : memref<390656xi32, #tpu.memory_space<vmem_shared>> -> memref<2048xi32, #tpu.memory_space<vmem_shared>>
        tpu.wait_dma2 semaphore(%run_scoped3A : memref<!tpu.dma_semaphore, #tpu.memory_space<semaphore_mem>>) src(%dma_wait3A_604 : memref<2048xi32, #tpu.memory_space<vmem_shared>>) dst(%dma_wait3A_603 : memref<2048xi32, #tpu.memory_space<vmem>>)
        tpu.yield
      }) : () -> ()
      %dma_wait3A_525 = arith.constant 14336 : i32
      %dma_wait3A_526 = tpu.memref_slice %arg6[%dma_wait3A_525] : memref<24416xi32, #tpu.memory_space<vmem>> -> memref<2048xi32, #tpu.memory_space<vmem>>
      %dma_wait3A_527 = tpu.memref_slice %arg3[%add3A_516] : memref<390656xi32, #tpu.memory_space<hbm>> -> memref<2048xi32, #tpu.memory_space<hbm>>
      %dma_wait3A_528 = tpu.memref_slice %arg3[%add3A_516] : memref<390656xi32, #tpu.memory_space<hbm>> -> memref<2048xi32, #tpu.memory_space<hbm>>
      %dma_wait3A_529 = arith.constant 14336 : i32
      %dma_wait3A_530 = tpu.memref_slice %arg6[%dma_wait3A_529] : memref<24416xi32, #tpu.memory_space<vmem>> -> memref<2048xi32, #tpu.memory_space<vmem>>
      tpu.wait_dma2 semaphore(%arg8 : memref<!tpu.dma_semaphore, #tpu.memory_space<semaphore_mem>>) src(%dma_wait3A_530 : memref<2048xi32, #tpu.memory_space<vmem>>) dst(%dma_wait3A_528 : memref<2048xi32, #tpu.memory_space<hbm>>)
      %add3A_531 = arith.constant 16384 : i32
      %add3A_532 = arith.addi %mul3A_2, %add3A_531 : i32
      %dma_start3A_533 = arith.constant 16384 : i32
      %dma_start3A_534 = tpu.memref_slice %arg6[%dma_start3A_533] : memref<24416xi32, #tpu.memory_space<vmem>> -> memref<2048xi32, #tpu.memory_space<vmem>>
      %dma_start3A_535 = tpu.memref_slice %arg3[%add3A_532] : memref<390656xi32, #tpu.memory_space<hbm>> -> memref<2048xi32, #tpu.memory_space<hbm>>
      %dma_start3A_536 = tpu.memref_slice %arg3[%add3A_532] : memref<390656xi32, #tpu.memory_space<hbm>> -> memref<2048xi32, #tpu.memory_space<hbm>>
      %dma_start3A_537 = arith.constant 16384 : i32
      %dma_start3A_538 = tpu.memref_slice %arg6[%dma_start3A_537] : memref<24416xi32, #tpu.memory_space<vmem>> -> memref<2048xi32, #tpu.memory_space<vmem>>
      tpu.enqueue_dma source(%dma_start3A_538 : memref<2048xi32, #tpu.memory_space<vmem>>) target(%dma_start3A_536 : memref<2048xi32, #tpu.memory_space<hbm>>) target_semaphore(%arg8 : memref<!tpu.dma_semaphore, #tpu.memory_space<semaphore_mem>>)
      %add3A_539 = arith.constant 18432 : i32
      %add3A_540 = arith.addi %mul3A_2, %add3A_539 : i32
      "tpu.region"() ({
        %run_scoped3A = tpu.sem_alloc : memref<!tpu.dma_semaphore, #tpu.memory_space<semaphore_mem>>
        %dma_start3A_593 = arith.constant 18432 : i32
        %dma_start3A_594 = tpu.memref_slice %arg6[%dma_start3A_593] : memref<24416xi32, #tpu.memory_space<vmem>> -> memref<2048xi32, #tpu.memory_space<vmem>>
        %dma_start3A_595 = tpu.memref_slice %arg7[%add3A_540] : memref<390656xi32, #tpu.memory_space<vmem_shared>> -> memref<2048xi32, #tpu.memory_space<vmem_shared>>
        %dma_start3A_596 = arith.constant 18432 : i32
        %dma_start3A_597 = tpu.memref_slice %arg6[%dma_start3A_596] : memref<24416xi32, #tpu.memory_space<vmem>> -> memref<2048xi32, #tpu.memory_space<vmem>>
        %dma_start3A_598 = tpu.memref_slice %arg7[%add3A_540] : memref<390656xi32, #tpu.memory_space<vmem_shared>> -> memref<2048xi32, #tpu.memory_space<vmem_shared>>
        tpu.enqueue_dma source(%dma_start3A_598 : memref<2048xi32, #tpu.memory_space<vmem_shared>>) target(%dma_start3A_597 : memref<2048xi32, #tpu.memory_space<vmem>>) target_semaphore(%run_scoped3A : memref<!tpu.dma_semaphore, #tpu.memory_space<semaphore_mem>>)
        %dma_wait3A_599 = arith.constant 18432 : i32
        %dma_wait3A_600 = tpu.memref_slice %arg6[%dma_wait3A_599] : memref<24416xi32, #tpu.memory_space<vmem>> -> memref<2048xi32, #tpu.memory_space<vmem>>
        %dma_wait3A_601 = tpu.memref_slice %arg7[%add3A_540] : memref<390656xi32, #tpu.memory_space<vmem_shared>> -> memref<2048xi32, #tpu.memory_space<vmem_shared>>
        %dma_wait3A_602 = arith.constant 18432 : i32
        %dma_wait3A_603 = tpu.memref_slice %arg6[%dma_wait3A_602] : memref<24416xi32, #tpu.memory_space<vmem>> -> memref<2048xi32, #tpu.memory_space<vmem>>
        %dma_wait3A_604 = tpu.memref_slice %arg7[%add3A_540] : memref<390656xi32, #tpu.memory_space<vmem_shared>> -> memref<2048xi32, #tpu.memory_space<vmem_shared>>
        tpu.wait_dma2 semaphore(%run_scoped3A : memref<!tpu.dma_semaphore, #tpu.memory_space<semaphore_mem>>) src(%dma_wait3A_604 : memref<2048xi32, #tpu.memory_space<vmem_shared>>) dst(%dma_wait3A_603 : memref<2048xi32, #tpu.memory_space<vmem>>)
        tpu.yield
      }) : () -> ()
      %dma_wait3A_541 = arith.constant 16384 : i32
      %dma_wait3A_542 = tpu.memref_slice %arg6[%dma_wait3A_541] : memref<24416xi32, #tpu.memory_space<vmem>> -> memref<2048xi32, #tpu.memory_space<vmem>>
      %dma_wait3A_543 = tpu.memref_slice %arg3[%add3A_532] : memref<390656xi32, #tpu.memory_space<hbm>> -> memref<2048xi32, #tpu.memory_space<hbm>>
      %dma_wait3A_544 = tpu.memref_slice %arg3[%add3A_532] : memref<390656xi32, #tpu.memory_space<hbm>> -> memref<2048xi32, #tpu.memory_space<hbm>>
      %dma_wait3A_545 = arith.constant 16384 : i32
      %dma_wait3A_546 = tpu.memref_slice %arg6[%dma_wait3A_545] : memref<24416xi32, #tpu.memory_space<vmem>> -> memref<2048xi32, #tpu.memory_space<vmem>>
      tpu.wait_dma2 semaphore(%arg8 : memref<!tpu.dma_semaphore, #tpu.memory_space<semaphore_mem>>) src(%dma_wait3A_546 : memref<2048xi32, #tpu.memory_space<vmem>>) dst(%dma_wait3A_544 : memref<2048xi32, #tpu.memory_space<hbm>>)
      %add3A_547 = arith.constant 18432 : i32
      %add3A_548 = arith.addi %mul3A_2, %add3A_547 : i32
      %dma_start3A_549 = arith.constant 18432 : i32
      %dma_start3A_550 = tpu.memref_slice %arg6[%dma_start3A_549] : memref<24416xi32, #tpu.memory_space<vmem>> -> memref<2048xi32, #tpu.memory_space<vmem>>
      %dma_start3A_551 = tpu.memref_slice %arg3[%add3A_548] : memref<390656xi32, #tpu.memory_space<hbm>> -> memref<2048xi32, #tpu.memory_space<hbm>>
      %dma_start3A_552 = tpu.memref_slice %arg3[%add3A_548] : memref<390656xi32, #tpu.memory_space<hbm>> -> memref<2048xi32, #tpu.memory_space<hbm>>
      %dma_start3A_553 = arith.constant 18432 : i32
      %dma_start3A_554 = tpu.memref_slice %arg6[%dma_start3A_553] : memref<24416xi32, #tpu.memory_space<vmem>> -> memref<2048xi32, #tpu.memory_space<vmem>>
      tpu.enqueue_dma source(%dma_start3A_554 : memref<2048xi32, #tpu.memory_space<vmem>>) target(%dma_start3A_552 : memref<2048xi32, #tpu.memory_space<hbm>>) target_semaphore(%arg8 : memref<!tpu.dma_semaphore, #tpu.memory_space<semaphore_mem>>)
      %add3A_555 = arith.constant 20480 : i32
      %add3A_556 = arith.addi %mul3A_2, %add3A_555 : i32
      "tpu.region"() ({
        %run_scoped3A = tpu.sem_alloc : memref<!tpu.dma_semaphore, #tpu.memory_space<semaphore_mem>>
        %dma_start3A_593 = arith.constant 20480 : i32
        %dma_start3A_594 = tpu.memref_slice %arg6[%dma_start3A_593] : memref<24416xi32, #tpu.memory_space<vmem>> -> memref<2048xi32, #tpu.memory_space<vmem>>
        %dma_start3A_595 = tpu.memref_slice %arg7[%add3A_556] : memref<390656xi32, #tpu.memory_space<vmem_shared>> -> memref<2048xi32, #tpu.memory_space<vmem_shared>>
        %dma_start3A_596 = arith.constant 20480 : i32
        %dma_start3A_597 = tpu.memref_slice %arg6[%dma_start3A_596] : memref<24416xi32, #tpu.memory_space<vmem>> -> memref<2048xi32, #tpu.memory_space<vmem>>
        %dma_start3A_598 = tpu.memref_slice %arg7[%add3A_556] : memref<390656xi32, #tpu.memory_space<vmem_shared>> -> memref<2048xi32, #tpu.memory_space<vmem_shared>>
        tpu.enqueue_dma source(%dma_start3A_598 : memref<2048xi32, #tpu.memory_space<vmem_shared>>) target(%dma_start3A_597 : memref<2048xi32, #tpu.memory_space<vmem>>) target_semaphore(%run_scoped3A : memref<!tpu.dma_semaphore, #tpu.memory_space<semaphore_mem>>)
        %dma_wait3A_599 = arith.constant 20480 : i32
        %dma_wait3A_600 = tpu.memref_slice %arg6[%dma_wait3A_599] : memref<24416xi32, #tpu.memory_space<vmem>> -> memref<2048xi32, #tpu.memory_space<vmem>>
        %dma_wait3A_601 = tpu.memref_slice %arg7[%add3A_556] : memref<390656xi32, #tpu.memory_space<vmem_shared>> -> memref<2048xi32, #tpu.memory_space<vmem_shared>>
        %dma_wait3A_602 = arith.constant 20480 : i32
        %dma_wait3A_603 = tpu.memref_slice %arg6[%dma_wait3A_602] : memref<24416xi32, #tpu.memory_space<vmem>> -> memref<2048xi32, #tpu.memory_space<vmem>>
        %dma_wait3A_604 = tpu.memref_slice %arg7[%add3A_556] : memref<390656xi32, #tpu.memory_space<vmem_shared>> -> memref<2048xi32, #tpu.memory_space<vmem_shared>>
        tpu.wait_dma2 semaphore(%run_scoped3A : memref<!tpu.dma_semaphore, #tpu.memory_space<semaphore_mem>>) src(%dma_wait3A_604 : memref<2048xi32, #tpu.memory_space<vmem_shared>>) dst(%dma_wait3A_603 : memref<2048xi32, #tpu.memory_space<vmem>>)
        tpu.yield
      }) : () -> ()
      %dma_wait3A_557 = arith.constant 18432 : i32
      %dma_wait3A_558 = tpu.memref_slice %arg6[%dma_wait3A_557] : memref<24416xi32, #tpu.memory_space<vmem>> -> memref<2048xi32, #tpu.memory_space<vmem>>
      %dma_wait3A_559 = tpu.memref_slice %arg3[%add3A_548] : memref<390656xi32, #tpu.memory_space<hbm>> -> memref<2048xi32, #tpu.memory_space<hbm>>
      %dma_wait3A_560 = tpu.memref_slice %arg3[%add3A_548] : memref<390656xi32, #tpu.memory_space<hbm>> -> memref<2048xi32, #tpu.memory_space<hbm>>
      %dma_wait3A_561 = arith.constant 18432 : i32
      %dma_wait3A_562 = tpu.memref_slice %arg6[%dma_wait3A_561] : memref<24416xi32, #tpu.memory_space<vmem>> -> memref<2048xi32, #tpu.memory_space<vmem>>
      tpu.wait_dma2 semaphore(%arg8 : memref<!tpu.dma_semaphore, #tpu.memory_space<semaphore_mem>>) src(%dma_wait3A_562 : memref<2048xi32, #tpu.memory_space<vmem>>) dst(%dma_wait3A_560 : memref<2048xi32, #tpu.memory_space<hbm>>)
      %add3A_563 = arith.constant 20480 : i32
      %add3A_564 = arith.addi %mul3A_2, %add3A_563 : i32
      %dma_start3A_565 = arith.constant 20480 : i32
      %dma_start3A_566 = tpu.memref_slice %arg6[%dma_start3A_565] : memref<24416xi32, #tpu.memory_space<vmem>> -> memref<2048xi32, #tpu.memory_space<vmem>>
      %dma_start3A_567 = tpu.memref_slice %arg3[%add3A_564] : memref<390656xi32, #tpu.memory_space<hbm>> -> memref<2048xi32, #tpu.memory_space<hbm>>
      %dma_start3A_568 = tpu.memref_slice %arg3[%add3A_564] : memref<390656xi32, #tpu.memory_space<hbm>> -> memref<2048xi32, #tpu.memory_space<hbm>>
      %dma_start3A_569 = arith.constant 20480 : i32
      %dma_start3A_570 = tpu.memref_slice %arg6[%dma_start3A_569] : memref<24416xi32, #tpu.memory_space<vmem>> -> memref<2048xi32, #tpu.memory_space<vmem>>
      tpu.enqueue_dma source(%dma_start3A_570 : memref<2048xi32, #tpu.memory_space<vmem>>) target(%dma_start3A_568 : memref<2048xi32, #tpu.memory_space<hbm>>) target_semaphore(%arg8 : memref<!tpu.dma_semaphore, #tpu.memory_space<semaphore_mem>>)
      %add3A_571 = arith.constant 22528 : i32
      %add3A_572 = arith.addi %mul3A_2, %add3A_571 : i32
      "tpu.region"() ({
        %run_scoped3A = tpu.sem_alloc : memref<!tpu.dma_semaphore, #tpu.memory_space<semaphore_mem>>
        %dma_start3A_593 = arith.constant 22528 : i32
        %dma_start3A_594 = tpu.memref_slice %arg6[%dma_start3A_593] : memref<24416xi32, #tpu.memory_space<vmem>> -> memref<1888xi32, #tpu.memory_space<vmem>>
        %dma_start3A_595 = tpu.memref_slice %arg7[%add3A_572] : memref<390656xi32, #tpu.memory_space<vmem_shared>> -> memref<1888xi32, #tpu.memory_space<vmem_shared>>
        %dma_start3A_596 = arith.constant 22528 : i32
        %dma_start3A_597 = tpu.memref_slice %arg6[%dma_start3A_596] : memref<24416xi32, #tpu.memory_space<vmem>> -> memref<1888xi32, #tpu.memory_space<vmem>>
        %dma_start3A_598 = tpu.memref_slice %arg7[%add3A_572] : memref<390656xi32, #tpu.memory_space<vmem_shared>> -> memref<1888xi32, #tpu.memory_space<vmem_shared>>
        tpu.enqueue_dma source(%dma_start3A_598 : memref<1888xi32, #tpu.memory_space<vmem_shared>>) target(%dma_start3A_597 : memref<1888xi32, #tpu.memory_space<vmem>>) target_semaphore(%run_scoped3A : memref<!tpu.dma_semaphore, #tpu.memory_space<semaphore_mem>>)
        %dma_wait3A_599 = arith.constant 22528 : i32
        %dma_wait3A_600 = tpu.memref_slice %arg6[%dma_wait3A_599] : memref<24416xi32, #tpu.memory_space<vmem>> -> memref<1888xi32, #tpu.memory_space<vmem>>
        %dma_wait3A_601 = tpu.memref_slice %arg7[%add3A_572] : memref<390656xi32, #tpu.memory_space<vmem_shared>> -> memref<1888xi32, #tpu.memory_space<vmem_shared>>
        %dma_wait3A_602 = arith.constant 22528 : i32
        %dma_wait3A_603 = tpu.memref_slice %arg6[%dma_wait3A_602] : memref<24416xi32, #tpu.memory_space<vmem>> -> memref<1888xi32, #tpu.memory_space<vmem>>
        %dma_wait3A_604 = tpu.memref_slice %arg7[%add3A_572] : memref<390656xi32, #tpu.memory_space<vmem_shared>> -> memref<1888xi32, #tpu.memory_space<vmem_shared>>
        tpu.wait_dma2 semaphore(%run_scoped3A : memref<!tpu.dma_semaphore, #tpu.memory_space<semaphore_mem>>) src(%dma_wait3A_604 : memref<1888xi32, #tpu.memory_space<vmem_shared>>) dst(%dma_wait3A_603 : memref<1888xi32, #tpu.memory_space<vmem>>)
        tpu.yield
      }) : () -> ()
      %dma_wait3A_573 = arith.constant 20480 : i32
      %dma_wait3A_574 = tpu.memref_slice %arg6[%dma_wait3A_573] : memref<24416xi32, #tpu.memory_space<vmem>> -> memref<2048xi32, #tpu.memory_space<vmem>>
      %dma_wait3A_575 = tpu.memref_slice %arg3[%add3A_564] : memref<390656xi32, #tpu.memory_space<hbm>> -> memref<2048xi32, #tpu.memory_space<hbm>>
      %dma_wait3A_576 = tpu.memref_slice %arg3[%add3A_564] : memref<390656xi32, #tpu.memory_space<hbm>> -> memref<2048xi32, #tpu.memory_space<hbm>>
      %dma_wait3A_577 = arith.constant 20480 : i32
      %dma_wait3A_578 = tpu.memref_slice %arg6[%dma_wait3A_577] : memref<24416xi32, #tpu.memory_space<vmem>> -> memref<2048xi32, #tpu.memory_space<vmem>>
      tpu.wait_dma2 semaphore(%arg8 : memref<!tpu.dma_semaphore, #tpu.memory_space<semaphore_mem>>) src(%dma_wait3A_578 : memref<2048xi32, #tpu.memory_space<vmem>>) dst(%dma_wait3A_576 : memref<2048xi32, #tpu.memory_space<hbm>>)
      %add3A_579 = arith.constant 22528 : i32
      %add3A_580 = arith.addi %mul3A_2, %add3A_579 : i32
      %dma_start3A_581 = arith.constant 22528 : i32
      %dma_start3A_582 = tpu.memref_slice %arg6[%dma_start3A_581] : memref<24416xi32, #tpu.memory_space<vmem>> -> memref<1888xi32, #tpu.memory_space<vmem>>
      %dma_start3A_583 = tpu.memref_slice %arg3[%add3A_580] : memref<390656xi32, #tpu.memory_space<hbm>> -> memref<1888xi32, #tpu.memory_space<hbm>>
      %dma_start3A_584 = tpu.memref_slice %arg3[%add3A_580] : memref<390656xi32, #tpu.memory_space<hbm>> -> memref<1888xi32, #tpu.memory_space<hbm>>
      %dma_start3A_585 = arith.constant 22528 : i32
      %dma_start3A_586 = tpu.memref_slice %arg6[%dma_start3A_585] : memref<24416xi32, #tpu.memory_space<vmem>> -> memref<1888xi32, #tpu.memory_space<vmem>>
      tpu.enqueue_dma source(%dma_start3A_586 : memref<1888xi32, #tpu.memory_space<vmem>>) target(%dma_start3A_584 : memref<1888xi32, #tpu.memory_space<hbm>>) target_semaphore(%arg8 : memref<!tpu.dma_semaphore, #tpu.memory_space<semaphore_mem>>)
      %dma_wait3A_587 = arith.constant 22528 : i32
      %dma_wait3A_588 = tpu.memref_slice %arg6[%dma_wait3A_587] : memref<24416xi32, #tpu.memory_space<vmem>> -> memref<1888xi32, #tpu.memory_space<vmem>>
      %dma_wait3A_589 = tpu.memref_slice %arg3[%add3A_580] : memref<390656xi32, #tpu.memory_space<hbm>> -> memref<1888xi32, #tpu.memory_space<hbm>>
      %dma_wait3A_590 = tpu.memref_slice %arg3[%add3A_580] : memref<390656xi32, #tpu.memory_space<hbm>> -> memref<1888xi32, #tpu.memory_space<hbm>>
      %dma_wait3A_591 = arith.constant 22528 : i32
      %dma_wait3A_592 = tpu.memref_slice %arg6[%dma_wait3A_591] : memref<24416xi32, #tpu.memory_space<vmem>> -> memref<1888xi32, #tpu.memory_space<vmem>>
      tpu.wait_dma2 semaphore(%arg8 : memref<!tpu.dma_semaphore, #tpu.memory_space<semaphore_mem>>) src(%dma_wait3A_592 : memref<1888xi32, #tpu.memory_space<vmem>>) dst(%dma_wait3A_590 : memref<1888xi32, #tpu.memory_space<hbm>>)
    } else {
    }
    return
  }
}

module attributes {stable_mosaic.version = 14 : i64} {
  func.func @_idx_body(%arg0: i32, %arg1: memref<128x8x1024xf32, #tpu.memory_space<vmem>>, %arg2: memref<1024x128xi32, #tpu.memory_space<vmem>>) attributes {dimension_semantics = [#tpu.dimension_semantics<arbitrary>], iteration_bounds = array<i64: 2>, scalar_prefetch = 0 : i64, scratch_operands = 0 : i64, tpu.core_type = #tpu.core_type<tc>, window_params = [{transform_indices = @transform_0, window_bounds = array<i64: 128, 8, 1024>}, {transform_indices = @transform_1, window_bounds = array<i64: 1024, 128>}]} {
    %get3A = arith.constant 0 : index
    %get3A_0 = arith.constant 0 : index
    %get3A_1 = arith.constant 0 : index
    %get3A_2 = vector.load %arg1[%get3A, %get3A_0, %get3A_1] : memref<128x8x1024xf32, #tpu.memory_space<vmem>>, vector<128x1x1024xf32>
    %get3A_3 = vector.shape_cast %get3A_2 : vector<128x1x1024xf32> to vector<128x1024xf32>
    %tanh3A = math.tanh %get3A_3 : vector<128x1024xf32>
    %mul3A = arith.constant 2.000000e+00 : f32
    %mul3A_4 = vector.broadcast %mul3A : f32 to vector<128x1024xf32>
    %mul3A_5 = arith.mulf %tanh3A, %mul3A_4 : vector<128x1024xf32>
    %round3A = math.roundeven %mul3A_5 : vector<128x1024xf32>
    %add3A = arith.constant 2.000000e+00 : f32
    %add3A_6 = vector.broadcast %add3A : f32 to vector<128x1024xf32>
    %add3A_7 = arith.addf %round3A, %add3A_6 : vector<128x1024xf32>
    %get3A_8 = arith.constant 0 : index
    %get3A_9 = arith.constant 1 : index
    %get3A_10 = arith.constant 0 : index
    %get3A_11 = vector.load %arg1[%get3A_8, %get3A_9, %get3A_10] : memref<128x8x1024xf32, #tpu.memory_space<vmem>>, vector<128x1x1024xf32>
    %get3A_12 = vector.shape_cast %get3A_11 : vector<128x1x1024xf32> to vector<128x1024xf32>
    %tanh3A_13 = math.tanh %get3A_12 : vector<128x1024xf32>
    %mul3A_14 = arith.constant 2.000000e+00 : f32
    %mul3A_15 = vector.broadcast %mul3A_14 : f32 to vector<128x1024xf32>
    %mul3A_16 = arith.mulf %tanh3A_13, %mul3A_15 : vector<128x1024xf32>
    %round3A_17 = math.roundeven %mul3A_16 : vector<128x1024xf32>
    %add3A_18 = arith.constant 2.000000e+00 : f32
    %add3A_19 = vector.broadcast %add3A_18 : f32 to vector<128x1024xf32>
    %add3A_20 = arith.addf %round3A_17, %add3A_19 : vector<128x1024xf32>
    %mul3A_21 = arith.constant 5.000000e+00 : f32
    %mul3A_22 = vector.broadcast %mul3A_21 : f32 to vector<128x1024xf32>
    %mul3A_23 = arith.mulf %add3A_20, %mul3A_22 : vector<128x1024xf32>
    %add3A_24 = arith.addf %add3A_7, %mul3A_23 : vector<128x1024xf32>
    %get3A_25 = arith.constant 0 : index
    %get3A_26 = arith.constant 2 : index
    %get3A_27 = arith.constant 0 : index
    %get3A_28 = vector.load %arg1[%get3A_25, %get3A_26, %get3A_27] : memref<128x8x1024xf32, #tpu.memory_space<vmem>>, vector<128x1x1024xf32>
    %get3A_29 = vector.shape_cast %get3A_28 : vector<128x1x1024xf32> to vector<128x1024xf32>
    %tanh3A_30 = math.tanh %get3A_29 : vector<128x1024xf32>
    %mul3A_31 = arith.constant 2.000000e+00 : f32
    %mul3A_32 = vector.broadcast %mul3A_31 : f32 to vector<128x1024xf32>
    %mul3A_33 = arith.mulf %tanh3A_30, %mul3A_32 : vector<128x1024xf32>
    %round3A_34 = math.roundeven %mul3A_33 : vector<128x1024xf32>
    %add3A_35 = arith.constant 2.000000e+00 : f32
    %add3A_36 = vector.broadcast %add3A_35 : f32 to vector<128x1024xf32>
    %add3A_37 = arith.addf %round3A_34, %add3A_36 : vector<128x1024xf32>
    %mul3A_38 = arith.constant 2.500000e+01 : f32
    %mul3A_39 = vector.broadcast %mul3A_38 : f32 to vector<128x1024xf32>
    %mul3A_40 = arith.mulf %add3A_37, %mul3A_39 : vector<128x1024xf32>
    %add3A_41 = arith.addf %add3A_24, %mul3A_40 : vector<128x1024xf32>
    %get3A_42 = arith.constant 0 : index
    %get3A_43 = arith.constant 3 : index
    %get3A_44 = arith.constant 0 : index
    %get3A_45 = vector.load %arg1[%get3A_42, %get3A_43, %get3A_44] : memref<128x8x1024xf32, #tpu.memory_space<vmem>>, vector<128x1x1024xf32>
    %get3A_46 = vector.shape_cast %get3A_45 : vector<128x1x1024xf32> to vector<128x1024xf32>
    %tanh3A_47 = math.tanh %get3A_46 : vector<128x1024xf32>
    %mul3A_48 = arith.constant 2.000000e+00 : f32
    %mul3A_49 = vector.broadcast %mul3A_48 : f32 to vector<128x1024xf32>
    %mul3A_50 = arith.mulf %tanh3A_47, %mul3A_49 : vector<128x1024xf32>
    %round3A_51 = math.roundeven %mul3A_50 : vector<128x1024xf32>
    %add3A_52 = arith.constant 2.000000e+00 : f32
    %add3A_53 = vector.broadcast %add3A_52 : f32 to vector<128x1024xf32>
    %add3A_54 = arith.addf %round3A_51, %add3A_53 : vector<128x1024xf32>
    %mul3A_55 = arith.constant 1.250000e+02 : f32
    %mul3A_56 = vector.broadcast %mul3A_55 : f32 to vector<128x1024xf32>
    %mul3A_57 = arith.mulf %add3A_54, %mul3A_56 : vector<128x1024xf32>
    %add3A_58 = arith.addf %add3A_41, %mul3A_57 : vector<128x1024xf32>
    %get3A_59 = arith.constant 0 : index
    %get3A_60 = arith.constant 4 : index
    %get3A_61 = arith.constant 0 : index
    %get3A_62 = vector.load %arg1[%get3A_59, %get3A_60, %get3A_61] : memref<128x8x1024xf32, #tpu.memory_space<vmem>>, vector<128x1x1024xf32>
    %get3A_63 = vector.shape_cast %get3A_62 : vector<128x1x1024xf32> to vector<128x1024xf32>
    %tanh3A_64 = math.tanh %get3A_63 : vector<128x1024xf32>
    %mul3A_65 = arith.constant 2.000000e+00 : f32
    %mul3A_66 = vector.broadcast %mul3A_65 : f32 to vector<128x1024xf32>
    %mul3A_67 = arith.mulf %tanh3A_64, %mul3A_66 : vector<128x1024xf32>
    %round3A_68 = math.roundeven %mul3A_67 : vector<128x1024xf32>
    %add3A_69 = arith.constant 2.000000e+00 : f32
    %add3A_70 = vector.broadcast %add3A_69 : f32 to vector<128x1024xf32>
    %add3A_71 = arith.addf %round3A_68, %add3A_70 : vector<128x1024xf32>
    %mul3A_72 = arith.constant 6.250000e+02 : f32
    %mul3A_73 = vector.broadcast %mul3A_72 : f32 to vector<128x1024xf32>
    %mul3A_74 = arith.mulf %add3A_71, %mul3A_73 : vector<128x1024xf32>
    %add3A_75 = arith.addf %add3A_58, %mul3A_74 : vector<128x1024xf32>
    %get3A_76 = arith.constant 0 : index
    %get3A_77 = arith.constant 5 : index
    %get3A_78 = arith.constant 0 : index
    %get3A_79 = vector.load %arg1[%get3A_76, %get3A_77, %get3A_78] : memref<128x8x1024xf32, #tpu.memory_space<vmem>>, vector<128x1x1024xf32>
    %get3A_80 = vector.shape_cast %get3A_79 : vector<128x1x1024xf32> to vector<128x1024xf32>
    %tanh3A_81 = math.tanh %get3A_80 : vector<128x1024xf32>
    %mul3A_82 = arith.constant 2.000000e+00 : f32
    %mul3A_83 = vector.broadcast %mul3A_82 : f32 to vector<128x1024xf32>
    %mul3A_84 = arith.mulf %tanh3A_81, %mul3A_83 : vector<128x1024xf32>
    %round3A_85 = math.roundeven %mul3A_84 : vector<128x1024xf32>
    %add3A_86 = arith.constant 2.000000e+00 : f32
    %add3A_87 = vector.broadcast %add3A_86 : f32 to vector<128x1024xf32>
    %add3A_88 = arith.addf %round3A_85, %add3A_87 : vector<128x1024xf32>
    %mul3A_89 = arith.constant 3.125000e+03 : f32
    %mul3A_90 = vector.broadcast %mul3A_89 : f32 to vector<128x1024xf32>
    %mul3A_91 = arith.mulf %add3A_88, %mul3A_90 : vector<128x1024xf32>
    %add3A_92 = arith.addf %add3A_75, %mul3A_91 : vector<128x1024xf32>
    %get3A_93 = arith.constant 0 : index
    %get3A_94 = arith.constant 6 : index
    %get3A_95 = arith.constant 0 : index
    %get3A_96 = vector.load %arg1[%get3A_93, %get3A_94, %get3A_95] : memref<128x8x1024xf32, #tpu.memory_space<vmem>>, vector<128x1x1024xf32>
    %get3A_97 = vector.shape_cast %get3A_96 : vector<128x1x1024xf32> to vector<128x1024xf32>
    %tanh3A_98 = math.tanh %get3A_97 : vector<128x1024xf32>
    %mul3A_99 = arith.constant 2.000000e+00 : f32
    %mul3A_100 = vector.broadcast %mul3A_99 : f32 to vector<128x1024xf32>
    %mul3A_101 = arith.mulf %tanh3A_98, %mul3A_100 : vector<128x1024xf32>
    %round3A_102 = math.roundeven %mul3A_101 : vector<128x1024xf32>
    %add3A_103 = arith.constant 2.000000e+00 : f32
    %add3A_104 = vector.broadcast %add3A_103 : f32 to vector<128x1024xf32>
    %add3A_105 = arith.addf %round3A_102, %add3A_104 : vector<128x1024xf32>
    %mul3A_106 = arith.constant 1.562500e+04 : f32
    %mul3A_107 = vector.broadcast %mul3A_106 : f32 to vector<128x1024xf32>
    %mul3A_108 = arith.mulf %add3A_105, %mul3A_107 : vector<128x1024xf32>
    %add3A_109 = arith.addf %add3A_92, %mul3A_108 : vector<128x1024xf32>
    %get3A_110 = arith.constant 0 : index
    %get3A_111 = arith.constant 7 : index
    %get3A_112 = arith.constant 0 : index
    %get3A_113 = vector.load %arg1[%get3A_110, %get3A_111, %get3A_112] : memref<128x8x1024xf32, #tpu.memory_space<vmem>>, vector<128x1x1024xf32>
    %get3A_114 = vector.shape_cast %get3A_113 : vector<128x1x1024xf32> to vector<128x1024xf32>
    %tanh3A_115 = math.tanh %get3A_114 : vector<128x1024xf32>
    %mul3A_116 = arith.constant 2.000000e+00 : f32
    %mul3A_117 = vector.broadcast %mul3A_116 : f32 to vector<128x1024xf32>
    %mul3A_118 = arith.mulf %tanh3A_115, %mul3A_117 : vector<128x1024xf32>
    %round3A_119 = math.roundeven %mul3A_118 : vector<128x1024xf32>
    %add3A_120 = arith.constant 2.000000e+00 : f32
    %add3A_121 = vector.broadcast %add3A_120 : f32 to vector<128x1024xf32>
    %add3A_122 = arith.addf %round3A_119, %add3A_121 : vector<128x1024xf32>
    %mul3A_123 = arith.constant 7.812500e+04 : f32
    %mul3A_124 = vector.broadcast %mul3A_123 : f32 to vector<128x1024xf32>
    %mul3A_125 = arith.mulf %add3A_122, %mul3A_124 : vector<128x1024xf32>
    %add3A_126 = arith.addf %add3A_109, %mul3A_125 : vector<128x1024xf32>
    %convert_element_type3A = arith.fptosi %add3A_126 : vector<128x1024xf32> to vector<128x1024xi32>
    %reshape3A = vector.shape_cast %convert_element_type3A : vector<128x1024xi32> to vector<1024x128xi32>
    %swap3A = arith.constant 0 : index
    %swap3A_127 = arith.constant 0 : index
    %swap3A_128 = vector.load %arg2[%swap3A, %swap3A_127] : memref<1024x128xi32, #tpu.memory_space<vmem>>, vector<1024x128xi32>
    tpu.vector_store %arg2[%swap3A, %swap3A_127], %reshape3A {strides = array<i32>} : memref<1024x128xi32, #tpu.memory_space<vmem>>, vector<1024x128xi32>,
    return
  }
  func.func @transform_0(%arg0: i32) -> (i32, i32, i32) {
    %c0_i32 = arith.constant 0 : i32
    %c0_i32_0 = arith.constant 0 : i32
    %c0_i32_1 = arith.constant 0 : i32
    return %arg0, %c0_i32, %c0_i32_0 : i32, i32, i32
  }
  func.func @transform_1(%arg0: i32) -> (i32, i32) {
    %c0_i32 = arith.constant 0 : i32
    %c0_i32_0 = arith.constant 0 : i32
    return %arg0, %c0_i32 : i32, i32
  }
}

module attributes {stable_mosaic.version = 14 : i64} {
  func.func @_quant_body(%arg0: i32, %arg1: memref<128x8x1024xf32, #tpu.memory_space<vmem>>, %arg2: memref<128x8x1024xf32, #tpu.memory_space<vmem>>, %arg3: memref<128x8x1024xf32, #tpu.memory_space<vmem>>) attributes {dimension_semantics = [#tpu.dimension_semantics<arbitrary>], iteration_bounds = array<i64: 2>, scalar_prefetch = 0 : i64, scratch_operands = 0 : i64, tpu.core_type = #tpu.core_type<tc>, window_params = [{transform_indices = @transform_0, window_bounds = array<i64: 128, 8, 1024>}, {transform_indices = @transform_1, window_bounds = array<i64: 128, 8, 1024>}, {transform_indices = @transform_2, window_bounds = array<i64: 128, 8, 1024>}]} {
    %get3A = arith.constant 0 : index
    %get3A_0 = arith.constant 0 : index
    %get3A_1 = arith.constant 0 : index
    %get3A_2 = vector.load %arg1[%get3A, %get3A_0, %get3A_1] : memref<128x8x1024xf32, #tpu.memory_space<vmem>>, vector<128x8x1024xf32>
    %tanh3A = math.tanh %get3A_2 : vector<128x8x1024xf32>
    %mul3A = arith.constant 2.000000e+00 : f32
    %mul3A_3 = vector.broadcast %mul3A : f32 to vector<128x8x1024xf32>
    %mul3A_4 = arith.mulf %tanh3A, %mul3A_3 : vector<128x8x1024xf32>
    %round3A = math.roundeven %mul3A_4 : vector<128x8x1024xf32>
    %mul3A_5 = arith.constant 5.000000e-01 : f32
    %mul3A_6 = vector.broadcast %mul3A_5 : f32 to vector<128x8x1024xf32>
    %mul3A_7 = arith.mulf %round3A, %mul3A_6 : vector<128x8x1024xf32>
    %swap3A = arith.constant 0 : index
    %swap3A_8 = arith.constant 0 : index
    %swap3A_9 = arith.constant 0 : index
    %swap3A_10 = vector.load %arg2[%swap3A, %swap3A_8, %swap3A_9] : memref<128x8x1024xf32, #tpu.memory_space<vmem>>, vector<128x8x1024xf32>
    tpu.vector_store %arg2[%swap3A, %swap3A_8, %swap3A_9], %mul3A_7 {strides = array<i32>} : memref<128x8x1024xf32, #tpu.memory_space<vmem>>, vector<128x8x1024xf32>,
    %swap3A_11 = arith.constant 0 : index
    %swap3A_12 = arith.constant 0 : index
    %swap3A_13 = arith.constant 0 : index
    %swap3A_14 = vector.load %arg3[%swap3A_11, %swap3A_12, %swap3A_13] : memref<128x8x1024xf32, #tpu.memory_space<vmem>>, vector<128x8x1024xf32>
    tpu.vector_store %arg3[%swap3A_11, %swap3A_12, %swap3A_13], %round3A {strides = array<i32>} : memref<128x8x1024xf32, #tpu.memory_space<vmem>>, vector<128x8x1024xf32>,
    return
  }
  func.func @transform_0(%arg0: i32) -> (i32, i32, i32) {
    %c0_i32 = arith.constant 0 : i32
    %c0_i32_0 = arith.constant 0 : i32
    %c0_i32_1 = arith.constant 0 : i32
    return %arg0, %c0_i32, %c0_i32_0 : i32, i32, i32
  }
  func.func @transform_1(%arg0: i32) -> (i32, i32, i32) {
    %c0_i32 = arith.constant 0 : i32
    %c0_i32_0 = arith.constant 0 : i32
    %c0_i32_1 = arith.constant 0 : i32
    return %arg0, %c0_i32, %c0_i32_0 : i32, i32, i32
  }
  func.func @transform_2(%arg0: i32) -> (i32, i32, i32) {
    %c0_i32 = arith.constant 0 : i32
    %c0_i32_0 = arith.constant 0 : i32
    %c0_i32_1 = arith.constant 0 : i32
    return %arg0, %c0_i32, %c0_i32_0 : i32, i32, i32
  }
}

</mosaic_0001>

<sc_bundles>
// kernel: kernel.5.cloned.1.call-start
scs
__scs_entry_jumppad:
0x0: {  	(pc) =	sbr.rel $0x88, $3  }
0x1: {  	(tag) =	ssettag $0x0;
	lr =	simm.s32 $0x1  }
0x2: {  	[smem:$0x3FA0] =	sst lr;
	_ =	strace $0xD0000000  }
0x3: {  	_ = 	snop  }
0x4: {  	_ = 	snop  }
0x5: {  	_ = 	snop  }
0x6: {  	_ = 	snop  }
0x7: {  	_ = 	snop  }
__scs_overlays_trampoline_lowered:
0x8: {  	[smem:$0x3FAF] =	sst s0  }
0x9: {  	[smem:$0x3FB0] =	sst s1  }
0xa: {  	[smem:$0x3FB1] =	sst s2  }
0xb: {  	[smem:$0x3FB2] =	sst s3  }
0xc: {  	[smem:$0x3FB3] =	sst s4  }
0xd: {  	[smem:$0x3FB4] =	sst s5  }
0xe: {  	[smem:$0x3FB5] =	sst s6  }
0xf: {  	[smem:$0x3FB6] =	sst s7  }
0x10: {  	[smem:$0x3FB7] =	sst s8  }
0x11: {  	[smem:$0x3FB8] =	sst s9;
	s0 =	simm.s32 @!p0 $0x0  }
0x12: {  	s1 =	sld [smem:$0x3F9E];
	s0 =	simm.s32 @p0 $0x1  }
0x13: {  	[smem:$0x3FB9] =	sst s0;
	s0 =	simm.s32 @!p1 $0x0  }
0x14: {  	s2 =	sld [smem:$0x3F9D];
	s0 =	simm.s32 @p1 $0x1  }
0x15: {  	[smem:$0x3FBA] =	sst s0;
	s0 =	simm.s32 @!p2 $0x0  }
0x16: {  	s3 =	sld [smem:$0x3FDB];
	s0 =	simm.s32 @p2 $0x1  }
0x17: {  	s4 =	simm.s32 $0x1BF5;
	[smem:$0x3FBC] =	sst s0  }
0x18: {  	s0 =	sld [smem:$0x3F9F];
	_ =	swait.ge [sflag:s4], $0x0  }
0x19: {  	s7 =	sld [smem:$0x3FA0]  }
0x1a: {  	s8 =	sadd.s32 $0xFFFFE003, lr  }
0x1b: {  	s9 =	sadd.s32 $0xFFFFFEF7, lr;
	s5 =	simm.s32 $0xFFFFFFFF;
	p2 =	slt.u32 s8, $0xFFFFF086  }
0x1c: {  	p1 =	slt.u32 s9, $0xF7A;
	s5 =	simm.s32 @!p2 $0x0  }
0x1d: {  	s5 =	simm.s32 @p1 $0x1;
	p0 =	seq.s32 s7, s2  }
0x1e: {  	s7 =	smul.u32 @!p0 $0xF7A, s2;
	p2 =	seq.s32 @!p0 s5, $0x0  }
0x1f: {  	s9 =	smul.u32 $0xF7A, s1;
	s8 =	simm.s32 @!p0 $0x1BF5;
	p2 =	por !p2, p0  }
0x20: {  	[sflag:s8] =	ssyncset.s32 @!p0 $0xFFFFF086;
	s6 =	sadd.s32 @!p0 s3, s7;
	s7 =	simm.s32 @!p0 $0x108  }
0x21: {  	s3 =	sadd.s32 s3, s9;
	s6 =	sadd.s32 @!p0 $0x88, s6;
	s7 =	simm.s32 @p2 $0x1082  }
0x22: {  	[simem:s7], [sflag:s8] =	dma.local @!p0 [hbm:s6], $0xF7A  }
0x23: {  	s9 =	sor.u32 $0xD0000000, s2;
	s6 =	simm.s32 $0x108;
	_ =	swait.ge @!p0 [sflag:s8], $0x0  }
0x24: {  	s3 =	sadd.s32 $0x88, s3;
	s6 =	simm.s32 @!p1 $0x1082;
	[sflag:s4] =	ssyncset.s32 $0xFFFFF086  }
0x25: {  	[simem:s6], [sflag:s4] =	dma.local [hbm:s3], $0xF7A  }
0x26: {  	[smem:$0x3FA0] =	sst s1;
	(tag) =	ssettag s2;
	_ =	strace s9  }
0x27: {  	s1 =	sld [smem:$0x3FB0]  }
0x28: {  	s2 =	sld [smem:$0x3FB1]  }
0x29: {  	s4 =	sld [smem:$0x3FB3]  }
0x2a: {  	p0 =	seq.s32 s5, $0x0;
	s5 =	sld [smem:$0x3FB4]  }
0x2b: {  	s6 =	sld [smem:$0x3FB5]  }
0x2c: {  	s7 =	sld [smem:$0x3FB6]  }
0x2d: {  	s3 =	simm.s32 $0x108;
	s8 =	sld [smem:$0x3FB7]  }
0x2e: {  	s3 =	simm.s32 @!p0 $0x1082;
	s9 =	sld [smem:$0x3FB8]  }
0x2f: {  	lr =	sadd.s32 s0, s3;
	s0 =	sld [smem:$0x3FAF]  }
0x30: {  	s3 =	sld [smem:$0x3FB2]  }
0x31: {  	[smem:$0x3FBB] =	sst s10  }
0x32: {  	s10 =	sld [smem:$0x3FB9];
	_ =	sdelay $0x3  }
0x33: {  	p0 =	seq.s32 s10, $0x1;
	s10 =	sld [smem:$0x3FBB];
	_ =	sdelay $0x3  }
0x34: {  	[smem:$0x3FBB] =	sst s10  }
0x35: {  	s10 =	sld [smem:$0x3FBA];
	_ =	sdelay $0x3  }
0x36: {  	p1 =	seq.s32 s10, $0x1;
	s10 =	sld [smem:$0x3FBB];
	_ =	sdelay $0x3  }
0x37: {  	[smem:$0x3FBB] =	sst s10  }
0x38: {  	s10 =	sld [smem:$0x3FBC]  }
0x39: {  	_ = 	snop;
	(pc) =	sbr.ind lr, $3  }
0x3a: {  	_ = 	snop  }
0x3b: {  	_ = 	snop  }
0x3c: {  	p2 =	seq.s32 s10, $0x1;
	s10 =	sld [smem:$0x3FBB]  }
0x3d: {  	_ =	shalt  }
0x3e: {  	_ =	shalt  }
0x3f: {  	_ =	shalt  }
0x40: {  	_ =	shalt  }
0x41: {  	_ =	shalt  }
0x42: {  	_ =	shalt  }
0x43: {  	_ =	shalt  }
0x44: {  	_ =	shalt  }
0x45: {  	_ =	shalt  }
0x46: {  	_ =	shalt  }
0x47: {  	_ =	shalt  }
0x48: {  	_ =	shalt  }
0x49: {  	_ =	shalt  }
0x4a: {  	_ =	shalt  }
0x4b: {  	_ =	shalt  }
0x4c: {  	_ =	shalt  }
0x4d: {  	_ =	shalt  }
0x4e: {  	_ =	shalt  }
0x4f: {  	_ =	shalt  }
0x50: {  	_ =	shalt  }
0x51: {  	_ =	shalt  }
0x52: {  	_ =	shalt  }
0x53: {  	_ =	shalt  }
0x54: {  	_ =	shalt  }
0x55: {  	_ =	shalt  }
0x56: {  	_ =	shalt  }
0x57: {  	_ =	shalt  }
0x58: {  	_ =	shalt  }
0x59: {  	_ =	shalt  }
0x5a: {  	_ =	shalt  }
0x5b: {  	_ =	shalt  }
0x5c: {  	_ =	shalt  }
0x5d: {  	_ =	shalt  }
0x5e: {  	_ =	shalt  }
0x5f: {  	_ =	shalt  }
0x60: {  	_ =	shalt  }
0x61: {  	_ =	shalt  }
0x62: {  	_ =	shalt  }
0x63: {  	_ =	shalt  }
0x64: {  	_ =	shalt  }
0x65: {  	_ =	shalt  }
0x66: {  	_ =	shalt  }
0x67: {  	_ =	shalt  }
0x68: {  	_ =	shalt  }
0x69: {  	_ =	shalt  }
0x6a: {  	_ =	shalt  }
0x6b: {  	_ =	shalt  }
0x6c: {  	_ =	shalt  }
0x6d: {  	_ =	shalt  }
0x6e: {  	_ =	shalt  }
0x6f: {  	_ =	shalt  }
0x70: {  	_ =	shalt  }
0x71: {  	_ =	shalt  }
0x72: {  	_ =	shalt  }
0x73: {  	_ =	shalt  }
0x74: {  	_ =	shalt  }
0x75: {  	_ =	shalt  }
0x76: {  	_ =	shalt  }
0x77: {  	_ =	shalt  }
0x78: {  	_ =	shalt  }
0x79: {  	_ =	shalt  }
0x7a: {  	_ =	shalt  }
0x7b: {  	_ =	shalt  }
0x7c: {  	_ =	shalt  }
0x7d: {  	_ =	shalt  }
0x7e: {  	_ =	shalt  }
0x7f: {  	_ =	shalt  }
0x80: {  	_ =	shalt  }
0x81: {  	_ =	shalt  }
0x82: {  	_ =	shalt  }
0x83: {  	_ =	shalt  }
0x84: {  	_ =	shalt  }
0x85: {  	_ =	shalt  }
0x86: {  	_ =	shalt  }
0x87: {  	_ =	shalt  }
.Lfunc_end0:
.L_simem_size_0:
called_computation_lowered:
.L_overlay_start_0:
0x88: {  	s0 =	sld [smem:$0x3FD9]  }
0x89: {  	s1 =	sld [smem:$0x3FFE];
	_ =	sdelay $0x3  }
0x8a: {  	s0 =	sadd.s32 s1, s0  }
0x8b: {  	[smem:$0x3FC7] =	sst s0  }
0x8c: {  	_ = 	snop  }
0x8d: {  	s0 =	sld [smem:$0x3FD0];
	_ =	sdelay $0x2  }
0x8e: {  	s13 =	simm.s32 $0xA;
	s2 =	simm.s32 $0x10  }
0x8f: {  	[smem:s2], [sflag:s13] =	dma.local [hbm:s0], $0x1  }
0x90: {  	_ =	swait.eq [sflag:s13], $0x1  }
0x91: {  	[sflag:s13] =	ssyncset.done $0x0  }
0x92: {  	[sflag:s13] =	ssyncadd.s32 $0xFFFFFFFF  }
0x93: {  	s14 =	sld [smem:$0x12];
	(tm) =	ssettm $0x1  }
0x94: {  	s15 =	sld [smem:$0x3FFB];
	_ =	sdelay $0x3  }
0x95: {  	_ =	strace s15  }
0x96: {  	s1 =	sld [smem:$0x3FFC];
	_ =	sdelay $0x3  }
0x97: {  	_ =	strace s1  }
0x98: {  	s1 =	sld [smem:$0x3FFD];
	_ =	sdelay $0x3  }
0x99: {  	_ =	strace s1  }
0x9a: {  	_ =	strace $0x8FFFFFFF  }
0x9b: {  	s16 =	sld [smem:$0x3FDB];
	_ =	sdelay $0x1  }
0x9c: {  	s17 =	simm.s32 $_scs_section_size  }
0x9d: {  	s3 =	simm.s32 $_size__tile_overlayer_lowered;
	s4 =	simm.s32 $_tile_overlayer_lowered  }
0x9e: {  	s20 =	simm.s32 $0x1BFF;
	s19 =	sshll.u32 s4, $0x1;
	s1 =	sadd.s32 s17, s16  }
0x9f: {  	s5 =	simm.s32 $0x0;
	s18 =	sshll.u32 s3, $0x1;
	s3 =	sadd.s32 s19, s1  }
0xa0: {  	[timem:s5], [sflag:s20] =	dma.local [hbm:s3], s18  }
0xa1: {  	_ =	swait.ge [sflag:s20], s18  }
0xa2: {  	s2 =	ssub.s32 $0x0, s18;
	[sflag:s20] =	ssyncset.done $0x0  }
0xa3: {  	[sflag:s20] =	ssyncadd.s32 s2;
	_ =	sdelay $0x1  }
0xa4: {  	s21 =	simm.s32 $0x1B8B  }
0xa5: {  	_ =	swait.ge [sflag:s21], $0x1  }
0xa6: {  	[sflag:s21] =	ssyncset.done $0x0  }
0xa7: {  	s23 =	simm.s32 $0x1B8E;
	s22 =	sld [smem:$0x3FFE];
	[sflag:s21] =	ssyncadd.s32 $0xFFFFFFFF  }
0xa8: {  	s24 =	simm.s32 $execute0_lowered;
	[smem:$0x3FD2] =	sst s23  }
0xa9: {  	s3 =	sshll.u32 s24, $0x1;
	_ =	strace $0x80000046;
	[dreg:$0x1] =	wrdreg $0xFFFFFFFF  }
0xaa: {  	s25 =	simm.s32 $_size_execute0_lowered;
	s1 =	sadd.s32 s1, s3;
	[dreg:$0x0] =	wrdreg $0x0  }
0xab: {  	s3 =	sshll.u32 s25, $0x1;
	[dreg:$0x2] =	wrdreg s1  }
0xac: {  	[dreg:$0x3] =	wrdreg s3  }
0xad: {  	[dreg:$0x4] =	wrdreg $0xC0  }
0xae: {  	_ =	task [dreg:s5], $0x5FFFF  }
0xaf: {  	[dreg:$0x1] =	wrdreg $0xFFFFFFFF  }
0xb0: {  	[dreg:$0x0] =	wrdreg $0x60  }
0xb1: {  	[dreg:$0x2] =	wrdreg s22  }
0xb2: {  	[dreg:$0x3] =	wrdreg s14  }
0xb3: {  	[dreg:$0x4] =	wrdreg $0xA0000  }
0xb4: {  	[dreg:$0x5] =	wrdreg $0x9  }
0xb5: {  	_ =	task.clear_ibuf [dreg:s5], $0x6FFFF;
	_ =	strace $0x90000046  }
0xb6: {  	s26 =	simm.s32 $0x9;
	_ =	strace $0x80000048  }
0xb7: {  	_ =	swait.ge [sflag:s26], $0x1  }
0xb8: {  	[sflag:s26] =	ssyncadd.s32 $0xFFFFFFFF  }
0xb9: {  	_ =	strace $0x90000048  }
0xba: {  	_ =	sfence  }
0xbb: {  	s28 =	sld [smem:$0x0];
	_ =	sdelay $0x1  }
0xbc: {  	s29 =	srdreg.scid  }
0xbd: {  	s30 =	sshll.u32 s29, $0xD;
	s31 =	sshrl.u32 s29, $0x2  }
0xbe: {  	s2 =	sand.u32 $0x4000, s30;
	s1 =	sand.u32 $0x1, s29;
	s0 =	sadd.s32 s31, s28  }
0xbf: {  	s1 =	sor.u32 s2, s1;
	s0 =	sshll.u32 s0, $0x11  }
0xc0: {  	s0 =	sor.u32 s0, s1  }
0xc1: {  	s0 =	sadd.s32 $0x8F2B, s0  }
0xc2: {  	[sflag:s0] =	ssyncadd.remote.s32 $0x1  }
0xc3: {  	_ =	sfence.sel $0xFFFF  }
0xc4: {  	[dreg:$0x0] =	wrdreg $0xFFFFFFFF;
	(pc) =	sbr.abs _section_cstart, $3  }
0xc5: {  	[dreg:$0x1] =	wrdreg $0xFFFFFFFF  }
0xc6: {  	_ =	task.clear_ibuf [dreg:s5], $0x2FFFF;
	_ =	strace $0x9FFFFFFF  }
0xc7: {  	(tm) =	ssettm $0x7FFFFFFF  }
tec
execute0_lowered:
.L_overlay_start_1:
0x0: {  	(tag) =	ssettag $0x1  }
0x1: {  	s0 =	rddreg [dreg:$0x0];
	s4 =	stileid.u32  }
0x2: {  	s2 =	rddreg [dreg:$0x1];
	s1 =	simm.s32 $0x0;
	s3 =	sshll.u32 s4, $0xB  }
0x3: {  	[smem:$0x7FF] =	sst s1;
	s0 =	sadd.s32 s3, s0  }
0x4: {  	s28 =	rddreg [dreg:$0x2];
	_ =	strace $0x80000047;
	s0 =	sadd.s32 $0xA00, s0  }
0x5: {  	[tilespmem:s1], [sflag:$0x2] =	stream.linear.gather [hbm4b:s0+s1], $0x4000, $0x38;
	[tilespmem:$0xFF60] =	vst v63  }
0x6: {  	v0 =	vimm.s32 $0x0;
	s3 =	simm.s32 $0x0;
	s0 =	simm.s32 $0x40  }
.LBB2_1:
0x7: {  	p0 =	sne.s32 s0, $0x1FC0;
	[tilespmem:s3+$0x4080] =	vst v0;
	s1 =	smov.u32 s0;
	s0 =	sadd.s32 $0x40, s0  }
.Ltmp0:
0x8: {  	(pc) =	sbr.rel @p0 .LBB2_1-.Ltmp0, $2  }
0x9: {  	_ =	sdelay $0x2  }
0xa: {  	s3 =	sshra.s32 s1, $0x2  }
0xb: {  	s25 =	smul.u32 $0x5F60, s4;
	_ =	sdelay $0x1  }
0xc: {  	[tilespmem:s3+$0x4080] =	vst v0;
	s0 =	simm.s32 $0x4080;
	s26 =	sadd.s32 s25, s28;
	s22 =	sadd.s32 $0x800, s25  }
0xd: {  	[spmem:s26] =	stream.linear.scatter [tilespmem:s0], [sflag:$0x1], $0x800, $0x38;
	[tilespmem:$0xFF60] =	vst v63  }
0xe: {  	s21 =	sadd.s32 $0x1000, s25;
	s24 =	sadd.s32 s22, s28  }
0xf: {  	[spmem:s24] =	stream.linear.scatter [tilespmem:s0], [sflag:$0x1], $0x800, $0x38;
	[tilespmem:$0xFF60] =	vst v63  }
0x10: {  	s19 =	sadd.s32 $0x1800, s25;
	s23 =	sadd.s32 s21, s28  }
0x11: {  	[spmem:s23] =	stream.linear.scatter [tilespmem:s0], [sflag:$0x1], $0x800, $0x38;
	[tilespmem:$0xFF60] =	vst v63  }
0x12: {  	s17 =	sadd.s32 $0x2000, s25;
	s20 =	sadd.s32 s19, s28  }
0x13: {  	[spmem:s20] =	stream.linear.scatter [tilespmem:s0], [sflag:$0x1], $0x800, $0x38;
	[tilespmem:$0xFF60] =	vst v63  }
0x14: {  	s15 =	sadd.s32 $0x2800, s25;
	s18 =	sadd.s32 s17, s28  }
0x15: {  	[spmem:s18] =	stream.linear.scatter [tilespmem:s0], [sflag:$0x1], $0x800, $0x38;
	[tilespmem:$0xFF60] =	vst v63  }
0x16: {  	s13 =	sadd.s32 $0x3000, s25;
	s16 =	sadd.s32 s15, s28  }
0x17: {  	[spmem:s16] =	stream.linear.scatter [tilespmem:s0], [sflag:$0x1], $0x800, $0x38;
	[tilespmem:$0xFF60] =	vst v63  }
0x18: {  	s11 =	sadd.s32 $0x3800, s25;
	s14 =	sadd.s32 s13, s28  }
0x19: {  	[spmem:s14] =	stream.linear.scatter [tilespmem:s0], [sflag:$0x1], $0x800, $0x38;
	[tilespmem:$0xFF60] =	vst v63  }
0x1a: {  	s9 =	sadd.s32 $0x4000, s25;
	s12 =	sadd.s32 s11, s28  }
0x1b: {  	[spmem:s12] =	stream.linear.scatter [tilespmem:s0], [sflag:$0x1], $0x800, $0x38;
	[tilespmem:$0xFF60] =	vst v63  }
0x1c: {  	s7 =	sadd.s32 $0x4800, s25;
	s10 =	sadd.s32 s9, s28  }
0x1d: {  	[spmem:s10] =	stream.linear.scatter [tilespmem:s0], [sflag:$0x1], $0x800, $0x38;
	[tilespmem:$0xFF60] =	vst v63  }
0x1e: {  	s5 =	sadd.s32 $0x5000, s25;
	s8 =	sadd.s32 s7, s28  }
0x1f: {  	[spmem:s8] =	stream.linear.scatter [tilespmem:s0], [sflag:$0x1], $0x800, $0x38;
	[tilespmem:$0xFF60] =	vst v63  }
0x20: {  	s3 =	sadd.s32 $0x5800, s25;
	s6 =	sadd.s32 s5, s28  }
0x21: {  	[spmem:s6] =	stream.linear.scatter [tilespmem:s0], [sflag:$0x1], $0x800, $0x38;
	[tilespmem:$0xFF60] =	vst v63  }
0x22: {  	s4 =	sadd.s32 s3, s28  }
0x23: {  	v63 =	vimm.s32 $0x1;
	[spmem:s4] =	stream.linear.scatter [tilespmem:s0], [sflag:$0x1], $0x760, $0x38;
	[tilespmem:$0xFF60] =	vst v63  }
0x24: {  	[tilespmem:$0x4000] =	vst v63  }
0x25: {  	[tilespmem:$0x4010] =	vst v63  }
0x26: {  	[tilespmem:$0x4020] =	vst v63  }
0x27: {  	[tilespmem:$0x4030] =	vst v63  }
0x28: {  	[tilespmem:$0x4040] =	vst v63  }
0x29: {  	[tilespmem:$0x4050] =	vst v63  }
0x2a: {  	[tilespmem:$0x4060] =	vst v63  }
0x2b: {  	s29 =	simm.s32 $0x1;
	[tilespmem:$0x4070] =	vst v63  }
0x2c: {  	_ =	swait.ge [sflag:s29], $0x800  }
0x2d: {  	[sflag:s29] =	ssyncset.done $0x0  }
0x2e: {  	[sflag:s29] =	ssyncadd.s32 $0xFFFFF800  }
0x2f: {  	_ =	swait.ge [sflag:s29], $0x800  }
0x30: {  	[sflag:s29] =	ssyncset.done $0x0  }
0x31: {  	[sflag:s29] =	ssyncadd.s32 $0xFFFFF800  }
0x32: {  	_ =	swait.ge [sflag:s29], $0x800  }
0x33: {  	[sflag:s29] =	ssyncset.done $0x0  }
0x34: {  	[sflag:s29] =	ssyncadd.s32 $0xFFFFF800  }
0x35: {  	_ =	swait.ge [sflag:s29], $0x800  }
0x36: {  	[sflag:s29] =	ssyncset.done $0x0  }
0x37: {  	[sflag:s29] =	ssyncadd.s32 $0xFFFFF800  }
0x38: {  	_ =	swait.ge [sflag:s29], $0x800  }
0x39: {  	[sflag:s29] =	ssyncset.done $0x0  }
0x3a: {  	[sflag:s29] =	ssyncadd.s32 $0xFFFFF800  }
0x3b: {  	_ =	swait.ge [sflag:s29], $0x800  }
0x3c: {  	[sflag:s29] =	ssyncset.done $0x0  }
0x3d: {  	[sflag:s29] =	ssyncadd.s32 $0xFFFFF800  }
0x3e: {  	_ =	swait.ge [sflag:s29], $0x800  }
0x3f: {  	[sflag:s29] =	ssyncset.done $0x0  }
0x40: {  	[sflag:s29] =	ssyncadd.s32 $0xFFFFF800  }
0x41: {  	_ =	swait.ge [sflag:s29], $0x800  }
0x42: {  	[sflag:s29] =	ssyncset.done $0x0  }
0x43: {  	[sflag:s29] =	ssyncadd.s32 $0xFFFFF800  }
0x44: {  	_ =	swait.ge [sflag:s29], $0x800  }
0x45: {  	[sflag:s29] =	ssyncset.done $0x0  }
0x46: {  	[sflag:s29] =	ssyncadd.s32 $0xFFFFF800  }
0x47: {  	_ =	swait.ge [sflag:s29], $0x800  }
0x48: {  	[sflag:s29] =	ssyncset.done $0x0  }
0x49: {  	[sflag:s29] =	ssyncadd.s32 $0xFFFFF800  }
0x4a: {  	_ =	swait.ge [sflag:s29], $0x800  }
0x4b: {  	[sflag:s29] =	ssyncset.done $0x0  }
0x4c: {  	[sflag:s29] =	ssyncadd.s32 $0xFFFFF800  }
0x4d: {  	_ =	swait.ge [sflag:s29], $0x760  }
0x4e: {  	[sflag:s29] =	ssyncset.done $0x0  }
0x4f: {  	s1 =	simm.s32 $0x2;
	[sflag:s29] =	ssyncadd.s32 $0xFFFFF8A0  }
0x50: {  	_ =	swait.ge [sflag:s1], $0x4000  }
0x51: {  	[sflag:s1] =	ssyncset.done $0x0  }
0x52: {  	s30 =	simm.s32 $0x80;
	[sflag:s1] =	ssyncadd.s32 $0xFFFFC000  }
0x53: {  	s31 =	simm.s32 $0x4000;
	s1 =	simm.s32 $0x0;
	[bflag:$0x0] =	sbarrier.arrive $0xFFFF  }
0x54: {  	[spmem:s28] =	stream.indirect.scatter.add.s32 [tilespmem:s31], [sflag:$0x1], $0x1, s1, s30, $0xb8;
	[tilespmem:$0xFF60] =	vst v63  }
0x55: {  	_ = 	snop  }
0x56: {  	[spmem:s28] =	stream.indirect.scatter.add.s32 [tilespmem:s31], [sflag:$0x1], $0x1, s30, s30, $0xb8;
	[tilespmem:$0xFF60] =	vst v63  }
0x57: {  	s1 =	simm.s32 $0x100  }
0x58: {  	[spmem:s28] =	stream.indirect.scatter.add.s32 [tilespmem:s31], [sflag:$0x1], $0x1, s1, s30, $0xb8;
	[tilespmem:$0xFF60] =	vst v63  }
0x59: {  	s1 =	simm.s32 $0x180  }
0x5a: {  	[spmem:s28] =	stream.indirect.scatter.add.s32 [tilespmem:s31], [sflag:$0x1], $0x1, s1, s30, $0xb8;
	[tilespmem:$0xFF60] =	vst v63  }
0x5b: {  	s1 =	simm.s32 $0x200  }
0x5c: {  	[spmem:s28] =	stream.indirect.scatter.add.s32 [tilespmem:s31], [sflag:$0x1], $0x1, s1, s30, $0xb8;
	[tilespmem:$0xFF60] =	vst v63  }
0x5d: {  	s1 =	simm.s32 $0x280  }
0x5e: {  	[spmem:s28] =	stream.indirect.scatter.add.s32 [tilespmem:s31], [sflag:$0x1], $0x1, s1, s30, $0xb8;
	[tilespmem:$0xFF60] =	vst v63  }
0x5f: {  	s1 =	simm.s32 $0x300  }
0x60: {  	[spmem:s28] =	stream.indirect.scatter.add.s32 [tilespmem:s31], [sflag:$0x1], $0x1, s1, s30, $0xb8;
	[tilespmem:$0xFF60] =	vst v63  }
0x61: {  	s1 =	simm.s32 $0x380  }
0x62: {  	[spmem:s28] =	stream.indirect.scatter.add.s32 [tilespmem:s31], [sflag:$0x1], $0x1, s1, s30, $0xb8;
	[tilespmem:$0xFF60] =	vst v63  }
0x63: {  	s1 =	simm.s32 $0x400  }
0x64: {  	[spmem:s28] =	stream.indirect.scatter.add.s32 [tilespmem:s31], [sflag:$0x1], $0x1, s1, s30, $0xb8;
	[tilespmem:$0xFF60] =	vst v63  }
0x65: {  	s1 =	simm.s32 $0x480  }
0x66: {  	[spmem:s28] =	stream.indirect.scatter.add.s32 [tilespmem:s31], [sflag:$0x1], $0x1, s1, s30, $0xb8;
	[tilespmem:$0xFF60] =	vst v63  }
0x67: {  	s1 =	simm.s32 $0x500  }
0x68: {  	[spmem:s28] =	stream.indirect.scatter.add.s32 [tilespmem:s31], [sflag:$0x1], $0x1, s1, s30, $0xb8;
	[tilespmem:$0xFF60] =	vst v63  }
0x69: {  	s1 =	simm.s32 $0x580  }
0x6a: {  	[spmem:s28] =	stream.indirect.scatter.add.s32 [tilespmem:s31], [sflag:$0x1], $0x1, s1, s30, $0xb8;
	[tilespmem:$0xFF60] =	vst v63  }
0x6b: {  	s1 =	simm.s32 $0x600  }
0x6c: {  	[spmem:s28] =	stream.indirect.scatter.add.s32 [tilespmem:s31], [sflag:$0x1], $0x1, s1, s30, $0xb8;
	[tilespmem:$0xFF60] =	vst v63  }
0x6d: {  	s1 =	simm.s32 $0x680  }
0x6e: {  	[spmem:s28] =	stream.indirect.scatter.add.s32 [tilespmem:s31], [sflag:$0x1], $0x1, s1, s30, $0xb8;
	[tilespmem:$0xFF60] =	vst v63  }
0x6f: {  	s1 =	simm.s32 $0x700  }
0x70: {  	[spmem:s28] =	stream.indirect.scatter.add.s32 [tilespmem:s31], [sflag:$0x1], $0x1, s1, s30, $0xb8;
	[tilespmem:$0xFF60] =	vst v63  }
0x71: {  	s1 =	simm.s32 $0x780  }
0x72: {  	[spmem:s28] =	stream.indirect.scatter.add.s32 [tilespmem:s31], [sflag:$0x1], $0x1, s1, s30, $0xb8;
	[tilespmem:$0xFF60] =	vst v63  }
0x73: {  	_ =	swait.ge [sflag:s29], $0x80  }
0x74: {  	[sflag:s29] =	ssyncset.done $0x0  }
0x75: {  	s0 =	simm.s32 $0x2200;
	s1 =	simm.s32 $0x800;
	[sflag:s29] =	ssyncadd.s32 $0xFFFFFF80  }
.LBB2_3:
0x76: {  	[spmem:s28] =	stream.indirect.scatter.add.s32 [tilespmem:s31], [sflag:$0x1], $0x1, s1, s30, $0xb8;
	[tilespmem:$0xFF60] =	vst v63  }
0x77: {  	s1 =	smov.u32 s0;
	p0 =	sne.s32 s0, $0xFE00  }
.Ltmp1:
0x78: {  	s0 =	sadd.s32 $0x200, s0;
	(pc) =	sbr.rel @p0 .LBB2_3-.Ltmp1, $4  }
0x79: {  	_ = 	snop  }
0x7a: {  	_ =	swait.ge [sflag:s29], $0x80  }
0x7b: {  	[sflag:s29] =	ssyncset.done $0x0  }
0x7c: {  	s1 =	sshra.s32 s1, $0x2;
	[sflag:s29] =	ssyncadd.s32 $0xFFFFFF80  }
0x7d: {  	[spmem:s28] =	stream.indirect.scatter.add.s32 [tilespmem:s31], [sflag:$0x1], $0x1, s1, s30, $0xb8;
	[tilespmem:$0xFF60] =	vst v63  }
0x7e: {  	s28 =	simm.s32 $0x1  }
0x7f: {  	_ =	swait.ge [sflag:s28], $0x80  }
0x80: {  	[sflag:s28] =	ssyncset.done $0x0  }
0x81: {  	[sflag:s28] =	ssyncadd.s32 $0xFFFFFF80  }
0x82: {  	_ =	swait.ge [sflag:s28], $0x80  }
0x83: {  	[sflag:s28] =	ssyncset.done $0x0  }
0x84: {  	[sflag:s28] =	ssyncadd.s32 $0xFFFFFF80  }
0x85: {  	_ =	swait.ge [sflag:s28], $0x80  }
0x86: {  	[sflag:s28] =	ssyncset.done $0x0  }
0x87: {  	[sflag:s28] =	ssyncadd.s32 $0xFFFFFF80  }
0x88: {  	_ =	swait.ge [sflag:s28], $0x80  }
0x89: {  	[sflag:s28] =	ssyncset.done $0x0  }
0x8a: {  	[sflag:s28] =	ssyncadd.s32 $0xFFFFFF80  }
0x8b: {  	_ =	swait.ge [sflag:s28], $0x80  }
0x8c: {  	[sflag:s28] =	ssyncset.done $0x0  }
0x8d: {  	[sflag:s28] =	ssyncadd.s32 $0xFFFFFF80  }
0x8e: {  	_ =	swait.ge [sflag:s28], $0x80  }
0x8f: {  	[sflag:s28] =	ssyncset.done $0x0  }
0x90: {  	[sflag:s28] =	ssyncadd.s32 $0xFFFFFF80  }
0x91: {  	_ =	swait.ge [sflag:s28], $0x80  }
0x92: {  	[sflag:s28] =	ssyncset.done $0x0  }
0x93: {  	[sflag:s28] =	ssyncadd.s32 $0xFFFFFF80  }
0x94: {  	_ =	swait.ge [sflag:s28], $0x80  }
0x95: {  	[sflag:s28] =	ssyncset.done $0x0  }
0x96: {  	[sflag:s28] =	ssyncadd.s32 $0xFFFFFF80  }
0x97: {  	_ =	swait.ge [sflag:s28], $0x80  }
0x98: {  	[sflag:s28] =	ssyncset.done $0x0  }
0x99: {  	[sflag:s28] =	ssyncadd.s32 $0xFFFFFF80  }
0x9a: {  	_ =	swait.ge [sflag:s28], $0x80  }
0x9b: {  	[sflag:s28] =	ssyncset.done $0x0  }
0x9c: {  	[sflag:s28] =	ssyncadd.s32 $0xFFFFFF80  }
0x9d: {  	_ =	swait.ge [sflag:s28], $0x80  }
0x9e: {  	[sflag:s28] =	ssyncset.done $0x0  }
0x9f: {  	[sflag:s28] =	ssyncadd.s32 $0xFFFFFF80  }
0xa0: {  	_ =	swait.ge [sflag:s28], $0x80  }
0xa1: {  	[sflag:s28] =	ssyncset.done $0x0  }
0xa2: {  	[sflag:s28] =	ssyncadd.s32 $0xFFFFFF80  }
0xa3: {  	_ =	swait.ge [sflag:s28], $0x80  }
0xa4: {  	[sflag:s28] =	ssyncset.done $0x0  }
0xa5: {  	[sflag:s28] =	ssyncadd.s32 $0xFFFFFF80  }
0xa6: {  	_ =	swait.ge [sflag:s28], $0x80  }
0xa7: {  	[sflag:s28] =	ssyncset.done $0x0  }
0xa8: {  	[sflag:s28] =	ssyncadd.s32 $0xFFFFFF80  }
0xa9: {  	_ =	swait.ge [sflag:s28], $0x80  }
0xaa: {  	[sflag:s28] =	ssyncset.done $0x0  }
0xab: {  	[sflag:s28] =	ssyncadd.s32 $0xFFFFFF80  }
0xac: {  	_ =	swait.ge [sflag:s28], $0x80  }
0xad: {  	[sflag:s28] =	ssyncset.done $0x0  }
0xae: {  	[sflag:s28] =	ssyncadd.s32 $0xFFFFFF80  }
0xaf: {  	s0 =	simm.s32 $0x4080;
	[bflag:$0x0] =	sbarrier.arrive $0xFFFF  }
0xb0: {  	[tilespmem:s0], [sflag:$0x3] =	stream.linear.gather [spmem:s26], $0x800, $0x38;
	[tilespmem:$0xFF60] =	vst v63  }
0xb1: {  	s26 =	simm.s32 $0x3  }
0xb2: {  	_ =	swait.ge [sflag:s26], $0x800  }
0xb3: {  	s25 =	sshrl.u32 s25, $0x3;
	[sflag:s26] =	ssyncset.done $0x0  }
0xb4: {  	s1 =	sadd.s32 s2, s25;
	s25 =	simm.s32 $0x0;
	[sflag:s26] =	ssyncadd.s32 $0xFFFFF800  }
0xb5: {  	[hbm4b:s1+s25] =	stream.linear.scatter [tilespmem:s0], [sflag:$0x1], $0x800, $0x38;
	[tilespmem:$0xFF60] =	vst v63  }
0xb6: {  	s29 =	simm.s32 $0x4880  }
0xb7: {  	[tilespmem:s29], [sflag:$0x3] =	stream.linear.gather [spmem:s24], $0x800, $0x38;
	[tilespmem:$0xFF60] =	vst v63  }
0xb8: {  	_ =	swait.ge [sflag:s26], $0x800  }
0xb9: {  	[sflag:s26] =	ssyncset.done $0x0  }
0xba: {  	[sflag:s26] =	ssyncadd.s32 $0xFFFFF800  }
0xbb: {  	_ =	swait.ge [sflag:s28], $0x800  }
0xbc: {  	s30 =	sshrl.u32 s22, $0x3;
	[sflag:s28] =	ssyncset.done $0x0  }
0xbd: {  	s1 =	sadd.s32 s2, s30;
	[sflag:s28] =	ssyncadd.s32 $0xFFFFF800  }
0xbe: {  	[hbm4b:s1+s25] =	stream.linear.scatter [tilespmem:s29], [sflag:$0x1], $0x800, $0x38;
	[tilespmem:$0xFF60] =	vst v63  }
0xbf: {  	s31 =	simm.s32 $0x5080  }
0xc0: {  	[tilespmem:s31], [sflag:$0x3] =	stream.linear.gather [spmem:s23], $0x800, $0x38;
	[tilespmem:$0xFF60] =	vst v63  }
0xc1: {  	_ =	swait.ge [sflag:s26], $0x800  }
0xc2: {  	[sflag:s26] =	ssyncset.done $0x0  }
0xc3: {  	[sflag:s26] =	ssyncadd.s32 $0xFFFFF800  }
0xc4: {  	_ =	swait.ge [sflag:s28], $0x800  }
0xc5: {  	s21 =	sshrl.u32 s21, $0x3;
	[sflag:s28] =	ssyncset.done $0x0  }
0xc6: {  	s1 =	sadd.s32 s2, s21;
	[sflag:s28] =	ssyncadd.s32 $0xFFFFF800  }
0xc7: {  	[hbm4b:s1+s25] =	stream.linear.scatter [tilespmem:s31], [sflag:$0x1], $0x800, $0x38;
	[tilespmem:$0xFF60] =	vst v63  }
0xc8: {  	s22 =	simm.s32 $0x5880  }
0xc9: {  	[tilespmem:s22], [sflag:$0x3] =	stream.linear.gather [spmem:s20], $0x800, $0x38;
	[tilespmem:$0xFF60] =	vst v63  }
0xca: {  	_ =	swait.ge [sflag:s26], $0x800  }
0xcb: {  	[sflag:s26] =	ssyncset.done $0x0  }
0xcc: {  	[sflag:s26] =	ssyncadd.s32 $0xFFFFF800  }
0xcd: {  	_ =	swait.ge [sflag:s28], $0x800  }
0xce: {  	s23 =	sshrl.u32 s19, $0x3;
	[sflag:s28] =	ssyncset.done $0x0  }
0xcf: {  	s1 =	sadd.s32 s2, s23;
	[sflag:s28] =	ssyncadd.s32 $0xFFFFF800  }
0xd0: {  	[hbm4b:s1+s25] =	stream.linear.scatter [tilespmem:s22], [sflag:$0x1], $0x800, $0x38;
	[tilespmem:$0xFF60] =	vst v63  }
0xd1: {  	s24 =	simm.s32 $0x6080  }
0xd2: {  	[tilespmem:s24], [sflag:$0x3] =	stream.linear.gather [spmem:s18], $0x800, $0x38;
	[tilespmem:$0xFF60] =	vst v63  }
0xd3: {  	_ =	swait.ge [sflag:s26], $0x800  }
0xd4: {  	[sflag:s26] =	ssyncset.done $0x0  }
0xd5: {  	[sflag:s26] =	ssyncadd.s32 $0xFFFFF800  }
0xd6: {  	_ =	swait.ge [sflag:s28], $0x800  }
0xd7: {  	s29 =	sshrl.u32 s17, $0x3;
	[sflag:s28] =	ssyncset.done $0x0  }
0xd8: {  	s1 =	sadd.s32 s2, s29;
	[sflag:s28] =	ssyncadd.s32 $0xFFFFF800  }
0xd9: {  	[hbm4b:s1+s25] =	stream.linear.scatter [tilespmem:s24], [sflag:$0x1], $0x800, $0x38;
	[tilespmem:$0xFF60] =	vst v63  }
0xda: {  	s30 =	simm.s32 $0x6880  }
0xdb: {  	[tilespmem:s30], [sflag:$0x3] =	stream.linear.gather [spmem:s16], $0x800, $0x38;
	[tilespmem:$0xFF60] =	vst v63  }
0xdc: {  	_ =	swait.ge [sflag:s26], $0x800  }
0xdd: {  	[sflag:s26] =	ssyncset.done $0x0  }
0xde: {  	[sflag:s26] =	ssyncadd.s32 $0xFFFFF800  }
0xdf: {  	_ =	swait.ge [sflag:s28], $0x800  }
0xe0: {  	s31 =	sshrl.u32 s15, $0x3;
	[sflag:s28] =	ssyncset.done $0x0  }
0xe1: {  	s1 =	sadd.s32 s2, s31;
	[sflag:s28] =	ssyncadd.s32 $0xFFFFF800  }
0xe2: {  	[hbm4b:s1+s25] =	stream.linear.scatter [tilespmem:s30], [sflag:$0x1], $0x800, $0x38;
	[tilespmem:$0xFF60] =	vst v63  }
0xe3: {  	s15 =	simm.s32 $0x7080  }
0xe4: {  	[tilespmem:s15], [sflag:$0x3] =	stream.linear.gather [spmem:s14], $0x800, $0x38;
	[tilespmem:$0xFF60] =	vst v63  }
0xe5: {  	_ =	swait.ge [sflag:s26], $0x800  }
0xe6: {  	[sflag:s26] =	ssyncset.done $0x0  }
0xe7: {  	[sflag:s26] =	ssyncadd.s32 $0xFFFFF800  }
0xe8: {  	_ =	swait.ge [sflag:s28], $0x800  }
0xe9: {  	s16 =	sshrl.u32 s13, $0x3;
	[sflag:s28] =	ssyncset.done $0x0  }
0xea: {  	s1 =	sadd.s32 s2, s16;
	[sflag:s28] =	ssyncadd.s32 $0xFFFFF800  }
0xeb: {  	[hbm4b:s1+s25] =	stream.linear.scatter [tilespmem:s15], [sflag:$0x1], $0x800, $0x38;
	[tilespmem:$0xFF60] =	vst v63  }
0xec: {  	s17 =	simm.s32 $0x7880  }
0xed: {  	[tilespmem:s17], [sflag:$0x3] =	stream.linear.gather [spmem:s12], $0x800, $0x38;
	[tilespmem:$0xFF60] =	vst v63  }
0xee: {  	_ =	swait.ge [sflag:s26], $0x800  }
0xef: {  	[sflag:s26] =	ssyncset.done $0x0  }
0xf0: {  	[sflag:s26] =	ssyncadd.s32 $0xFFFFF800  }
0xf1: {  	_ =	swait.ge [sflag:s28], $0x800  }
0xf2: {  	s18 =	sshrl.u32 s11, $0x3;
	[sflag:s28] =	ssyncset.done $0x0  }
0xf3: {  	s1 =	sadd.s32 s2, s18;
	[sflag:s28] =	ssyncadd.s32 $0xFFFFF800  }
0xf4: {  	[hbm4b:s1+s25] =	stream.linear.scatter [tilespmem:s17], [sflag:$0x1], $0x800, $0x38;
	[tilespmem:$0xFF60] =	vst v63  }
0xf5: {  	s19 =	simm.s32 $0x8080  }
0xf6: {  	[tilespmem:s19], [sflag:$0x3] =	stream.linear.gather [spmem:s10], $0x800, $0x38;
	[tilespmem:$0xFF60] =	vst v63  }
0xf7: {  	_ =	swait.ge [sflag:s26], $0x800  }
0xf8: {  	[sflag:s26] =	ssyncset.done $0x0  }
0xf9: {  	[sflag:s26] =	ssyncadd.s32 $0xFFFFF800  }
0xfa: {  	_ =	swait.ge [sflag:s28], $0x800  }
0xfb: {  	s20 =	sshrl.u32 s9, $0x3;
	[sflag:s28] =	ssyncset.done $0x0  }
0xfc: {  	s1 =	sadd.s32 s2, s20;
	[sflag:s28] =	ssyncadd.s32 $0xFFFFF800  }
0xfd: {  	[hbm4b:s1+s25] =	stream.linear.scatter [tilespmem:s19], [sflag:$0x1], $0x800, $0x38;
	[tilespmem:$0xFF60] =	vst v63  }
0xfe: {  	s21 =	simm.s32 $0x8880  }
0xff: {  	[tilespmem:s21], [sflag:$0x3] =	stream.linear.gather [spmem:s8], $0x800, $0x38;
	[tilespmem:$0xFF60] =	vst v63  }
0x100: {  	_ =	swait.ge [sflag:s26], $0x800  }
0x101: {  	[sflag:s26] =	ssyncset.done $0x0  }
0x102: {  	[sflag:s26] =	ssyncadd.s32 $0xFFFFF800  }
0x103: {  	_ =	swait.ge [sflag:s28], $0x800  }
0x104: {  	s22 =	sshrl.u32 s7, $0x3;
	[sflag:s28] =	ssyncset.done $0x0  }
0x105: {  	s1 =	sadd.s32 s2, s22;
	[sflag:s28] =	ssyncadd.s32 $0xFFFFF800  }
0x106: {  	[hbm4b:s1+s25] =	stream.linear.scatter [tilespmem:s21], [sflag:$0x1], $0x800, $0x38;
	[tilespmem:$0xFF60] =	vst v63  }
0x107: {  	s23 =	simm.s32 $0x9080  }
0x108: {  	[tilespmem:s23], [sflag:$0x3] =	stream.linear.gather [spmem:s6], $0x800, $0x38;
	[tilespmem:$0xFF60] =	vst v63  }
0x109: {  	_ =	swait.ge [sflag:s26], $0x800  }
0x10a: {  	[sflag:s26] =	ssyncset.done $0x0  }
0x10b: {  	[sflag:s26] =	ssyncadd.s32 $0xFFFFF800  }
0x10c: {  	_ =	swait.ge [sflag:s28], $0x800  }
0x10d: {  	s24 =	sshrl.u32 s5, $0x3;
	[sflag:s28] =	ssyncset.done $0x0  }
0x10e: {  	s1 =	sadd.s32 s2, s24;
	[sflag:s28] =	ssyncadd.s32 $0xFFFFF800  }
0x10f: {  	[hbm4b:s1+s25] =	stream.linear.scatter [tilespmem:s23], [sflag:$0x1], $0x800, $0x38;
	[tilespmem:$0xFF60] =	vst v63  }
0x110: {  	s29 =	simm.s32 $0x9880  }
0x111: {  	[tilespmem:s29], [sflag:$0x3] =	stream.linear.gather [spmem:s4], $0x760, $0x38;
	[tilespmem:$0xFF60] =	vst v63  }
0x112: {  	_ =	swait.ge [sflag:s26], $0x760  }
0x113: {  	[sflag:s26] =	ssyncset.done $0x0  }
0x114: {  	[sflag:s26] =	ssyncadd.s32 $0xFFFFF8A0  }
0x115: {  	_ =	swait.ge [sflag:s28], $0x800  }
0x116: {  	s30 =	sshrl.u32 s3, $0x3;
	[sflag:s28] =	ssyncset.done $0x0  }
0x117: {  	s1 =	sadd.s32 s2, s30;
	[sflag:s28] =	ssyncadd.s32 $0xFFFFF800  }
0x118: {  	[hbm4b:s1+s25] =	stream.linear.scatter [tilespmem:s29], [sflag:$0x1], $0x760, $0x38;
	[tilespmem:$0xFF60] =	vst v63  }
0x119: {  	_ =	swait.ge [sflag:s28], $0x760  }
0x11a: {  	[sflag:s28] =	ssyncset.done $0x0  }
0x11b: {  	[sflag:s28] =	ssyncadd.s32 $0xFFFFF8A0  }
0x11c: {  	_ =	sfence.sel $0x180000  }
0x11d: {  	[bflag:$0x0] =	sbarrier.arrive $0xFFFF  }
0x11e: {  	_ =	strace $0x90000047  }
0x11f: {  	s31 =	stileid.u32;
	[bflag:$0x2] =	sbarrier.arrive $0xFFFF  }
0x120: {  	p0 =	sne.s32 s31, $0x0;
	s0 =	rddreg [dreg:$0x3]  }
0x121: {  	s0 =	sadd.s32 @!p0 $0x100000, s0  }
0x122: {  	[sflag:s0] =	ssyncadd.tile.s32 @!p0 $0x1;
	_ =	shalt  }
.Lfunc_end2:
_tile_overlayer_lowered:
.L_overlay_start_2:
0x123: {  	(tag) =	ssettag $0x2  }
0x124: {  	s0 =	rddreg [dreg:$0x0];
	s2 =	stileid.u32  }
0x125: {  	s1 =	rddreg [dreg:$0x1];
	p0 =	sne.s32 s2, $0x0  }
0x126: {  	s3 =	rddreg [dreg:$0x2];
	[bflag:$0x3] =	sbarrier.arrive $0xFFFF;
	s2 =	simm.s32 @!p0 $0x1C03  }
0x127: {  	[timem:s3], [sflag:s2] =	dma.local @!p0 [hbm:s0], s1  }
0x128: {  	s0 =	simm.s32 @!p0 $0x3  }
0x129: {  	_ =	swait.ge @!p0 [sflag:s0], s1  }
0x12a: {  	s1 =	ssub.s32 @!p0 $0x0, s1;
	[sflag:s0] =	ssyncset.done @!p0 $0x0  }
0x12b: {  	[sflag:s0] =	ssyncadd.s32 @!p0 s1  }
0x12c: {  	[bflag:$0x3] =	sbarrier.arrive $0xFFFF  }
0x12d: {  	_ =	shalt  }

</sc_bundles>
